<compile_context>
chip_gen: v7x
topology: tpu7x:2x2x1
jax: 0.10.2.dev20260603
libtpu: 0.0.44.dev20260713+nightly
codegen_flags: <defaults>
</compile_context>

<pallas_src>
import functools

import jax
import jax.numpy as jnp
from jax import lax
from jax.experimental import pallas as pl
from jax.experimental.pallas import tpu as pltpu
from jax.experimental.pallas import tpu_sc as plsc



def _row_sumsq(xb):
    x2 = xb * xb
    v = x2[:, :128] + x2[:, 128:]
    acc = v[:, 0:8]
    for k in range(1, 16):
        acc = acc + v[:, 8 * k:8 * k + 8]
    t = acc[:, :4] + acc[:, 4:]
    t = t[:, :2] + t[:, 2:]
    return t[:, 0:1] + t[:, 1:2]


def _argmin_body(x_ref, w_ref, out_ref, w2_ref, *, bn, half_tiles):
    i = pl.program_id(0)
    n_tiles = 2 * half_tiles

    @pl.when(i == 0)
    def _():
        for n in range(n_tiles):
            wt = w_ref[:, n * bn:(n + 1) * bn]
            w2_ref[:, n * bn:(n + 1) * bn] = jnp.sum(wt * wt, axis=0,
                                                     keepdims=True)

    xb = x_ref[...]
    bm = xb.shape[0]
    a = _row_sumsq(xb)
    xn2 = -2.0 * xb

    def scan_half(h):
        bmin = jnp.full((bm, 1), jnp.inf, jnp.float32)
        bidx = jnp.zeros((bm, 1), jnp.int32)
        for t in range(half_tiles):
            n = h * half_tiles + t
            wt = w_ref[:, n * bn:(n + 1) * bn]
            m2n = jnp.dot(xn2, wt, preferred_element_type=jnp.float32)
            d = (a + m2n) + w2_ref[:, n * bn:(n + 1) * bn]
            tmin = jnp.min(d, axis=1, keepdims=True)
            iota = lax.broadcasted_iota(jnp.int32, d.shape, 1)
            tloc = jnp.min(jnp.where(d == tmin, iota, jnp.int32(2**30)),
                           axis=1, keepdims=True)
            tidx = tloc + n * bn
            better = tmin < bmin
            bidx = jnp.where(better, tidx, bidx)
            bmin = jnp.where(better, tmin, bmin)
        return bmin, bidx

    m0, i0 = scan_half(0)
    m1, i1 = scan_half(1)
    u = lax.bitcast_convert_type(m0, jnp.int32)
    lo = u & 0xFFFF
    up = (lo > 0x8000) | ((lo == 0x8000) & (((u >> 16) & 1) == 0))
    u2 = (u & jnp.int32(-65536)) + jnp.where(up, jnp.int32(65536), jnp.int32(0))
    m0r = lax.bitcast_convert_type(u2, jnp.float32)
    take1 = m1 < m0r
    out_ref[0, 0, :] = jnp.where(take1, i1, i0)[:, 0]


def _argmin_indices(flat, w, bm=512, bn=512):
    m, k = flat.shape
    n = w.shape[1]
    grid = m // bm
    out = pl.pallas_call(
        functools.partial(_argmin_body, bn=bn, half_tiles=n // (2 * bn)),
        grid=(grid,),
        in_specs=[
            pl.BlockSpec((bm, k), lambda i: (i, 0)),
            pl.BlockSpec((k, n), lambda i: (0, 0)),
        ],
        out_specs=pl.BlockSpec((1, 1, bm), lambda i: (i, 0, 0)),
        out_shape=jax.ShapeDtypeStruct((grid, 1, bm), jnp.int32),
        scratch_shapes=[pltpu.VMEM((1, n), jnp.float32)],
    )(flat, w)
    return out.reshape(-1)



def _make_sc_gather(v, d, b):
    info = plsc.get_sparse_core_info()
    nw = info.num_cores * info.num_subcores
    nc = info.num_cores
    b_per_w = b // nw
    mesh = plsc.VectorSubcoreMesh(core_axis_name="c", subcore_axis_name="s")

    @functools.partial(
        pl.kernel, mesh=mesh,
        out_type=jax.ShapeDtypeStruct((b, d), jnp.float32),
        scratch_types=[
            pltpu.VMEM((b_per_w,), jnp.int32),
            pltpu.VMEM((b_per_w, d), jnp.float32),
            pltpu.SemaphoreType.DMA,
        ],
    )
    def gather(table_hbm, idx_hbm, out_hbm, idx_v, rows_v, sem):
        wid = lax.axis_index("s") * nc + lax.axis_index("c")
        base = wid * b_per_w
        pltpu.sync_copy(idx_hbm.at[pl.ds(base, b_per_w)], idx_v)
        pltpu.async_copy(table_hbm.at[idx_v], rows_v, sem).wait()
        pltpu.sync_copy(rows_v, out_hbm.at[pl.ds(base, b_per_w)])

    return gather


def kernel(x, w):
    embedding_dim, num_codes = w.shape
    flat = x.reshape(-1, embedding_dim)
    idx = _argmin_indices(flat, w)
    wt = w.T
    gather = _make_sc_gather(num_codes, embedding_dim, flat.shape[0])
    quant = gather(wt, idx)
    return idx.reshape(x.shape[:-1]), quant.reshape(x.shape)

# --- scband reference (transcript-rebuilt; emitter-appended) ---
"""Pipeline reference for scband-vqvaelayer-39573828665698 (READ-ONLY COPY).

The authoritative reference and input builder live on the scoring server;
editing this copy changes nothing except your own understanding.
"""

import jax, jax.numpy as jnp
import numpy as np


def setup_inputs(seed: int = 0) -> dict:
    key = jax.random.key(seed)
    k1, k2 = jax.random.split(key)
    x = jax.random.normal(k1, (8, 1024, 256), dtype=jnp.float32)
    # embedding table: shape (embedding_dim, num_embeddings) as in the Keras layer
    w = jax.random.uniform(k2, (256, 4096), dtype=jnp.float32, minval=-0.05, maxval=0.05)
    return {"x": x, "w": w}


def reference(x, w):
    embedding_dim = w.shape[0]
    flat_inputs = x.reshape(-1, embedding_dim)
    distances = (
        jnp.sum(flat_inputs ** 2, axis=1, keepdims=True)
        - 2.0 * (flat_inputs @ w)
        + jnp.sum(w ** 2, axis=0, keepdims=True)
    )
    encoding_indices = jnp.argmax(-distances, axis=1)
    encoding_indices = encoding_indices.reshape(x.shape[:-1])
    # quantize: embedding lookup into transposed codebook
    quantized = jnp.take(w.T, encoding_indices, axis=0)
    return encoding_indices, quantized

if __name__ == "__main__":
    import jax
    _d = setup_inputs()
    print(jax.jit(kernel)(*tuple(_d.values())))

</pallas_src>

<mosaic_0001>
#map = affine_map<(d0, d1) -> (0, 0)>
#map1 = affine_map<(d0, d1) -> (0)>
module attributes {stable_mosaic.version = 14 : i64} {
  func.func @gather(%arg0: i32, %arg1: i32, %arg2: memref<4096x256xf32, #tpu.memory_space<hbm>>, %arg3: memref<8192xi32, #tpu.memory_space<hbm>>, %arg4: memref<8192x256xf32, #tpu.memory_space<hbm>>, %arg5: memref<256xi32, #tpu.memory_space<vmem>>, %arg6: memref<256x256xf32, #tpu.memory_space<vmem>>, %arg7: memref<!tpu.dma_semaphore, #tpu.memory_space<semaphore_mem>>) attributes {dimension_semantics = [#tpu.dimension_semantics<core_parallel>, #tpu.dimension_semantics<subcore_parallel>], iteration_bounds = array<i64: 2, 16>, scalar_prefetch = 0 : i64, scratch_operands = 3 : i64, tpu.core_type = #tpu.core_type<sc_vector_subcore>, window_params = [{transform_indices = #map}, {transform_indices = #map1}, {transform_indices = #map}]} {
    %mul3A = arith.constant 2 : i32
    %mul3A_0 = arith.muli %arg1, %mul3A : i32
    %add3A = arith.addi %mul3A_0, %arg0 : i32
    %mul3A_1 = arith.constant 256 : i32
    %mul3A_2 = arith.muli %add3A, %mul3A_1 : i32
    "tpu.region"() ({
      %run_scoped3A = tpu.sem_alloc : memref<!tpu.dma_semaphore, #tpu.memory_space<semaphore_mem>>
      %dma_start3A_7 = tpu.memref_slice %arg3[%mul3A_2] : memref<8192xi32, #tpu.memory_space<hbm>> -> memref<256xi32, #tpu.memory_space<hbm>>
      %dma_start3A_8 = tpu.memref_slice %arg3[%mul3A_2] : memref<8192xi32, #tpu.memory_space<hbm>> -> memref<256xi32, #tpu.memory_space<hbm>>
      tpu.enqueue_dma source(%dma_start3A_8 : memref<256xi32, #tpu.memory_space<hbm>>) target(%arg5 : memref<256xi32, #tpu.memory_space<vmem>>) target_semaphore(%run_scoped3A : memref<!tpu.dma_semaphore, #tpu.memory_space<semaphore_mem>>)
      %dma_wait3A_9 = tpu.memref_slice %arg3[%mul3A_2] : memref<8192xi32, #tpu.memory_space<hbm>> -> memref<256xi32, #tpu.memory_space<hbm>>
      %dma_wait3A_10 = tpu.memref_slice %arg3[%mul3A_2] : memref<8192xi32, #tpu.memory_space<hbm>> -> memref<256xi32, #tpu.memory_space<hbm>>
      tpu.wait_dma2 semaphore(%run_scoped3A : memref<!tpu.dma_semaphore, #tpu.memory_space<semaphore_mem>>) src(%dma_wait3A_10 : memref<256xi32, #tpu.memory_space<hbm>>) dst(%arg5 : memref<256xi32, #tpu.memory_space<vmem>>)
      tpu.yield
    }) : () -> ()
    %dma_start3A = arith.constant 0 : i32
    %dma_start3A_3 = arith.constant 0 : i32
    %dma_start3A_4 = tpu.memref_slice %arg2[%dma_start3A, %dma_start3A_3] : memref<4096x256xf32, #tpu.memory_space<hbm>> -> memref<4096x256xf32, #tpu.memory_space<hbm>>
    tpu.enqueue_indirect_dma source(%dma_start3A_4 : memref<4096x256xf32, #tpu.memory_space<hbm>>) target(%arg6 : memref<256x256xf32, #tpu.memory_space<vmem>>) offsets(%arg5 : memref<256xi32, #tpu.memory_space<vmem>>) semaphore(%arg7 : memref<!tpu.dma_semaphore, #tpu.memory_space<semaphore_mem>>)
    %dma_wait3A = arith.constant 0 : i32
    %dma_wait3A_5 = arith.constant 0 : i32
    %dma_wait3A_6 = tpu.memref_slice %arg2[%dma_wait3A, %dma_wait3A_5] : memref<4096x256xf32, #tpu.memory_space<hbm>> -> memref<4096x256xf32, #tpu.memory_space<hbm>>
    tpu.wait_indirect_dma semaphore(%arg7 : memref<!tpu.dma_semaphore, #tpu.memory_space<semaphore_mem>>) src(%dma_wait3A_6 : memref<4096x256xf32, #tpu.memory_space<hbm>>) dst(%arg6 : memref<256x256xf32, #tpu.memory_space<vmem>>)
    "tpu.region"() ({
      %run_scoped3A = tpu.sem_alloc : memref<!tpu.dma_semaphore, #tpu.memory_space<semaphore_mem>>
      %dma_start3A_7 = arith.constant 0 : i32
      %dma_start3A_8 = tpu.memref_slice %arg4[%mul3A_2, %dma_start3A_7] : memref<8192x256xf32, #tpu.memory_space<hbm>> -> memref<256x256xf32, #tpu.memory_space<hbm>>
      %dma_start3A_9 = arith.constant 0 : i32
      %dma_start3A_10 = tpu.memref_slice %arg4[%mul3A_2, %dma_start3A_9] : memref<8192x256xf32, #tpu.memory_space<hbm>> -> memref<256x256xf32, #tpu.memory_space<hbm>>
      tpu.enqueue_dma source(%arg6 : memref<256x256xf32, #tpu.memory_space<vmem>>) target(%dma_start3A_10 : memref<256x256xf32, #tpu.memory_space<hbm>>) target_semaphore(%run_scoped3A : memref<!tpu.dma_semaphore, #tpu.memory_space<semaphore_mem>>)
      %dma_wait3A_11 = arith.constant 0 : i32
      %dma_wait3A_12 = tpu.memref_slice %arg4[%mul3A_2, %dma_wait3A_11] : memref<8192x256xf32, #tpu.memory_space<hbm>> -> memref<256x256xf32, #tpu.memory_space<hbm>>
      %dma_wait3A_13 = arith.constant 0 : i32
      %dma_wait3A_14 = tpu.memref_slice %arg4[%mul3A_2, %dma_wait3A_13] : memref<8192x256xf32, #tpu.memory_space<hbm>> -> memref<256x256xf32, #tpu.memory_space<hbm>>
      tpu.wait_dma2 semaphore(%run_scoped3A : memref<!tpu.dma_semaphore, #tpu.memory_space<semaphore_mem>>) src(%arg6 : memref<256x256xf32, #tpu.memory_space<vmem>>) dst(%dma_wait3A_14 : memref<256x256xf32, #tpu.memory_space<hbm>>)
      tpu.yield
    }) : () -> ()
    return
  }
}

module attributes {stable_mosaic.version = 14 : i64} {
  func.func @_argmin_body(%arg0: i32, %arg1: memref<512x256xf32, #tpu.memory_space<vmem>>, %arg2: memref<256x4096xf32, #tpu.memory_space<vmem>>, %arg3: memref<1x1x512xi32, #tpu.memory_space<vmem>>, %arg4: memref<1x4096xf32, #tpu.memory_space<vmem>>) attributes {dimension_semantics = [#tpu.dimension_semantics<arbitrary>], iteration_bounds = array<i64: 16>, scalar_prefetch = 0 : i64, scratch_operands = 1 : i64, tpu.core_type = #tpu.core_type<tc>, window_params = [{transform_indices = @transform_0, window_bounds = array<i64: 512, 256>}, {pipeline_mode = #tpu.pipeline_mode<synchronous>, transform_indices = @transform_1, window_bounds = array<i64: 256, 4096>}, {transform_indices = @transform_2, window_bounds = array<i64: 1, 1, 512>}]} {
    %eq3A = arith.constant 0 : i32
    %eq3A_0 = arith.cmpi eq, %arg0, %eq3A : i32
    %convert_element_type3A = arith.extui %eq3A_0 : i1 to i32
    %cond3A = arith.constant 0 : i32
    %cond3A_1 = arith.cmpi ne, %convert_element_type3A, %cond3A : i32
    scf.if %cond3A_1 {
      %get3A_322 = arith.constant 0 : index
      %get3A_323 = arith.constant 0 : index
      %get3A_324 = vector.load %arg2[%get3A_322, %get3A_323] : memref<256x4096xf32, #tpu.memory_space<vmem>>, vector<256x512xf32>
      %mul3A_325 = arith.mulf %get3A_324, %get3A_324 : vector<256x512xf32>
      %reduce_sum3A = arith.constant dense<0.000000e+00> : vector<512xf32>
      %reduce_sum3A_326 = vector.multi_reduction <add>, %mul3A_325, %reduce_sum3A [0] : vector<256x512xf32> to vector<512xf32>
      %broadcast_in_dim3A_327 = vector.shape_cast %reduce_sum3A_326 : vector<512xf32> to vector<1x512xf32>
      %swap3A_328 = arith.constant 0 : index
      %swap3A_329 = arith.constant 0 : index
      %swap3A_330 = vector.load %arg4[%swap3A_328, %swap3A_329] : memref<1x4096xf32, #tpu.memory_space<vmem>>, vector<1x512xf32>
      tpu.vector_store %arg4[%swap3A_328, %swap3A_329], %broadcast_in_dim3A_327 {strides = array<i32>} : memref<1x4096xf32, #tpu.memory_space<vmem>>, vector<1x512xf32>,
      %get3A_331 = arith.constant 0 : index
      %get3A_332 = arith.constant 512 : index
      %get3A_333 = vector.load %arg2[%get3A_331, %get3A_332] : memref<256x4096xf32, #tpu.memory_space<vmem>>, vector<256x512xf32>
      %mul3A_334 = arith.mulf %get3A_333, %get3A_333 : vector<256x512xf32>
      %reduce_sum3A_335 = arith.constant dense<0.000000e+00> : vector<512xf32>
      %reduce_sum3A_336 = vector.multi_reduction <add>, %mul3A_334, %reduce_sum3A_335 [0] : vector<256x512xf32> to vector<512xf32>
      %broadcast_in_dim3A_337 = vector.shape_cast %reduce_sum3A_336 : vector<512xf32> to vector<1x512xf32>
      %swap3A_338 = arith.constant 0 : index
      %swap3A_339 = arith.constant 512 : index
      %swap3A_340 = vector.load %arg4[%swap3A_338, %swap3A_339] : memref<1x4096xf32, #tpu.memory_space<vmem>>, vector<1x512xf32>
      tpu.vector_store %arg4[%swap3A_338, %swap3A_339], %broadcast_in_dim3A_337 {strides = array<i32>} : memref<1x4096xf32, #tpu.memory_space<vmem>>, vector<1x512xf32>,
      %get3A_341 = arith.constant 0 : index
      %get3A_342 = arith.constant 1024 : index
      %get3A_343 = vector.load %arg2[%get3A_341, %get3A_342] : memref<256x4096xf32, #tpu.memory_space<vmem>>, vector<256x512xf32>
      %mul3A_344 = arith.mulf %get3A_343, %get3A_343 : vector<256x512xf32>
      %reduce_sum3A_345 = arith.constant dense<0.000000e+00> : vector<512xf32>
      %reduce_sum3A_346 = vector.multi_reduction <add>, %mul3A_344, %reduce_sum3A_345 [0] : vector<256x512xf32> to vector<512xf32>
      %broadcast_in_dim3A_347 = vector.shape_cast %reduce_sum3A_346 : vector<512xf32> to vector<1x512xf32>
      %swap3A_348 = arith.constant 0 : index
      %swap3A_349 = arith.constant 1024 : index
      %swap3A_350 = vector.load %arg4[%swap3A_348, %swap3A_349] : memref<1x4096xf32, #tpu.memory_space<vmem>>, vector<1x512xf32>
      tpu.vector_store %arg4[%swap3A_348, %swap3A_349], %broadcast_in_dim3A_347 {strides = array<i32>} : memref<1x4096xf32, #tpu.memory_space<vmem>>, vector<1x512xf32>,
      %get3A_351 = arith.constant 0 : index
      %get3A_352 = arith.constant 1536 : index
      %get3A_353 = vector.load %arg2[%get3A_351, %get3A_352] : memref<256x4096xf32, #tpu.memory_space<vmem>>, vector<256x512xf32>
      %mul3A_354 = arith.mulf %get3A_353, %get3A_353 : vector<256x512xf32>
      %reduce_sum3A_355 = arith.constant dense<0.000000e+00> : vector<512xf32>
      %reduce_sum3A_356 = vector.multi_reduction <add>, %mul3A_354, %reduce_sum3A_355 [0] : vector<256x512xf32> to vector<512xf32>
      %broadcast_in_dim3A_357 = vector.shape_cast %reduce_sum3A_356 : vector<512xf32> to vector<1x512xf32>
      %swap3A_358 = arith.constant 0 : index
      %swap3A_359 = arith.constant 1536 : index
      %swap3A_360 = vector.load %arg4[%swap3A_358, %swap3A_359] : memref<1x4096xf32, #tpu.memory_space<vmem>>, vector<1x512xf32>
      tpu.vector_store %arg4[%swap3A_358, %swap3A_359], %broadcast_in_dim3A_357 {strides = array<i32>} : memref<1x4096xf32, #tpu.memory_space<vmem>>, vector<1x512xf32>,
      %get3A_361 = arith.constant 0 : index
      %get3A_362 = arith.constant 2048 : index
      %get3A_363 = vector.load %arg2[%get3A_361, %get3A_362] : memref<256x4096xf32, #tpu.memory_space<vmem>>, vector<256x512xf32>
      %mul3A_364 = arith.mulf %get3A_363, %get3A_363 : vector<256x512xf32>
      %reduce_sum3A_365 = arith.constant dense<0.000000e+00> : vector<512xf32>
      %reduce_sum3A_366 = vector.multi_reduction <add>, %mul3A_364, %reduce_sum3A_365 [0] : vector<256x512xf32> to vector<512xf32>
      %broadcast_in_dim3A_367 = vector.shape_cast %reduce_sum3A_366 : vector<512xf32> to vector<1x512xf32>
      %swap3A_368 = arith.constant 0 : index
      %swap3A_369 = arith.constant 2048 : index
      %swap3A_370 = vector.load %arg4[%swap3A_368, %swap3A_369] : memref<1x4096xf32, #tpu.memory_space<vmem>>, vector<1x512xf32>
      tpu.vector_store %arg4[%swap3A_368, %swap3A_369], %broadcast_in_dim3A_367 {strides = array<i32>} : memref<1x4096xf32, #tpu.memory_space<vmem>>, vector<1x512xf32>,
      %get3A_371 = arith.constant 0 : index
      %get3A_372 = arith.constant 2560 : index
      %get3A_373 = vector.load %arg2[%get3A_371, %get3A_372] : memref<256x4096xf32, #tpu.memory_space<vmem>>, vector<256x512xf32>
      %mul3A_374 = arith.mulf %get3A_373, %get3A_373 : vector<256x512xf32>
      %reduce_sum3A_375 = arith.constant dense<0.000000e+00> : vector<512xf32>
      %reduce_sum3A_376 = vector.multi_reduction <add>, %mul3A_374, %reduce_sum3A_375 [0] : vector<256x512xf32> to vector<512xf32>
      %broadcast_in_dim3A_377 = vector.shape_cast %reduce_sum3A_376 : vector<512xf32> to vector<1x512xf32>
      %swap3A_378 = arith.constant 0 : index
      %swap3A_379 = arith.constant 2560 : index
      %swap3A_380 = vector.load %arg4[%swap3A_378, %swap3A_379] : memref<1x4096xf32, #tpu.memory_space<vmem>>, vector<1x512xf32>
      tpu.vector_store %arg4[%swap3A_378, %swap3A_379], %broadcast_in_dim3A_377 {strides = array<i32>} : memref<1x4096xf32, #tpu.memory_space<vmem>>, vector<1x512xf32>,
      %get3A_381 = arith.constant 0 : index
      %get3A_382 = arith.constant 3072 : index
      %get3A_383 = vector.load %arg2[%get3A_381, %get3A_382] : memref<256x4096xf32, #tpu.memory_space<vmem>>, vector<256x512xf32>
      %mul3A_384 = arith.mulf %get3A_383, %get3A_383 : vector<256x512xf32>
      %reduce_sum3A_385 = arith.constant dense<0.000000e+00> : vector<512xf32>
      %reduce_sum3A_386 = vector.multi_reduction <add>, %mul3A_384, %reduce_sum3A_385 [0] : vector<256x512xf32> to vector<512xf32>
      %broadcast_in_dim3A_387 = vector.shape_cast %reduce_sum3A_386 : vector<512xf32> to vector<1x512xf32>
      %swap3A_388 = arith.constant 0 : index
      %swap3A_389 = arith.constant 3072 : index
      %swap3A_390 = vector.load %arg4[%swap3A_388, %swap3A_389] : memref<1x4096xf32, #tpu.memory_space<vmem>>, vector<1x512xf32>
      tpu.vector_store %arg4[%swap3A_388, %swap3A_389], %broadcast_in_dim3A_387 {strides = array<i32>} : memref<1x4096xf32, #tpu.memory_space<vmem>>, vector<1x512xf32>,
      %get3A_391 = arith.constant 0 : index
      %get3A_392 = arith.constant 3584 : index
      %get3A_393 = vector.load %arg2[%get3A_391, %get3A_392] : memref<256x4096xf32, #tpu.memory_space<vmem>>, vector<256x512xf32>
      %mul3A_394 = arith.mulf %get3A_393, %get3A_393 : vector<256x512xf32>
      %reduce_sum3A_395 = arith.constant dense<0.000000e+00> : vector<512xf32>
      %reduce_sum3A_396 = vector.multi_reduction <add>, %mul3A_394, %reduce_sum3A_395 [0] : vector<256x512xf32> to vector<512xf32>
      %broadcast_in_dim3A_397 = vector.shape_cast %reduce_sum3A_396 : vector<512xf32> to vector<1x512xf32>
      %swap3A_398 = arith.constant 0 : index
      %swap3A_399 = arith.constant 3584 : index
      %swap3A_400 = vector.load %arg4[%swap3A_398, %swap3A_399] : memref<1x4096xf32, #tpu.memory_space<vmem>>, vector<1x512xf32>
      tpu.vector_store %arg4[%swap3A_398, %swap3A_399], %broadcast_in_dim3A_397 {strides = array<i32>} : memref<1x4096xf32, #tpu.memory_space<vmem>>, vector<1x512xf32>,
    } else {
    }
    %get3A = arith.constant 0 : index
    %get3A_2 = arith.constant 0 : index
    %get3A_3 = vector.load %arg1[%get3A, %get3A_2] : memref<512x256xf32, #tpu.memory_space<vmem>>, vector<512x256xf32>
    %mul3A = arith.mulf %get3A_3, %get3A_3 : vector<512x256xf32>
    %slice3A = vector.extract_strided_slice %mul3A {offsets = [0, 0], sizes = [512, 128], strides = [1, 1]} : vector<512x256xf32> to vector<512x128xf32>
    %slice3A_4 = vector.extract_strided_slice %mul3A {offsets = [0, 128], sizes = [512, 128], strides = [1, 1]} : vector<512x256xf32> to vector<512x128xf32>
    %add3A = arith.addf %slice3A, %slice3A_4 : vector<512x128xf32>
    %slice3A_5 = vector.extract_strided_slice %add3A {offsets = [0, 0], sizes = [512, 8], strides = [1, 1]} : vector<512x128xf32> to vector<512x8xf32>
    %slice3A_6 = vector.extract_strided_slice %add3A {offsets = [0, 8], sizes = [512, 8], strides = [1, 1]} : vector<512x128xf32> to vector<512x8xf32>
    %add3A_7 = arith.addf %slice3A_5, %slice3A_6 : vector<512x8xf32>
    %slice3A_8 = vector.extract_strided_slice %add3A {offsets = [0, 16], sizes = [512, 8], strides = [1, 1]} : vector<512x128xf32> to vector<512x8xf32>
    %add3A_9 = arith.addf %add3A_7, %slice3A_8 : vector<512x8xf32>
    %slice3A_10 = vector.extract_strided_slice %add3A {offsets = [0, 24], sizes = [512, 8], strides = [1, 1]} : vector<512x128xf32> to vector<512x8xf32>
    %add3A_11 = arith.addf %add3A_9, %slice3A_10 : vector<512x8xf32>
    %slice3A_12 = vector.extract_strided_slice %add3A {offsets = [0, 32], sizes = [512, 8], strides = [1, 1]} : vector<512x128xf32> to vector<512x8xf32>
    %add3A_13 = arith.addf %add3A_11, %slice3A_12 : vector<512x8xf32>
    %slice3A_14 = vector.extract_strided_slice %add3A {offsets = [0, 40], sizes = [512, 8], strides = [1, 1]} : vector<512x128xf32> to vector<512x8xf32>
    %add3A_15 = arith.addf %add3A_13, %slice3A_14 : vector<512x8xf32>
    %slice3A_16 = vector.extract_strided_slice %add3A {offsets = [0, 48], sizes = [512, 8], strides = [1, 1]} : vector<512x128xf32> to vector<512x8xf32>
    %add3A_17 = arith.addf %add3A_15, %slice3A_16 : vector<512x8xf32>
    %slice3A_18 = vector.extract_strided_slice %add3A {offsets = [0, 56], sizes = [512, 8], strides = [1, 1]} : vector<512x128xf32> to vector<512x8xf32>
    %add3A_19 = arith.addf %add3A_17, %slice3A_18 : vector<512x8xf32>
    %slice3A_20 = vector.extract_strided_slice %add3A {offsets = [0, 64], sizes = [512, 8], strides = [1, 1]} : vector<512x128xf32> to vector<512x8xf32>
    %add3A_21 = arith.addf %add3A_19, %slice3A_20 : vector<512x8xf32>
    %slice3A_22 = vector.extract_strided_slice %add3A {offsets = [0, 72], sizes = [512, 8], strides = [1, 1]} : vector<512x128xf32> to vector<512x8xf32>
    %add3A_23 = arith.addf %add3A_21, %slice3A_22 : vector<512x8xf32>
    %slice3A_24 = vector.extract_strided_slice %add3A {offsets = [0, 80], sizes = [512, 8], strides = [1, 1]} : vector<512x128xf32> to vector<512x8xf32>
    %add3A_25 = arith.addf %add3A_23, %slice3A_24 : vector<512x8xf32>
    %slice3A_26 = vector.extract_strided_slice %add3A {offsets = [0, 88], sizes = [512, 8], strides = [1, 1]} : vector<512x128xf32> to vector<512x8xf32>
    %add3A_27 = arith.addf %add3A_25, %slice3A_26 : vector<512x8xf32>
    %slice3A_28 = vector.extract_strided_slice %add3A {offsets = [0, 96], sizes = [512, 8], strides = [1, 1]} : vector<512x128xf32> to vector<512x8xf32>
    %add3A_29 = arith.addf %add3A_27, %slice3A_28 : vector<512x8xf32>
    %slice3A_30 = vector.extract_strided_slice %add3A {offsets = [0, 104], sizes = [512, 8], strides = [1, 1]} : vector<512x128xf32> to vector<512x8xf32>
    %add3A_31 = arith.addf %add3A_29, %slice3A_30 : vector<512x8xf32>
    %slice3A_32 = vector.extract_strided_slice %add3A {offsets = [0, 112], sizes = [512, 8], strides = [1, 1]} : vector<512x128xf32> to vector<512x8xf32>
    %add3A_33 = arith.addf %add3A_31, %slice3A_32 : vector<512x8xf32>
    %slice3A_34 = vector.extract_strided_slice %add3A {offsets = [0, 120], sizes = [512, 8], strides = [1, 1]} : vector<512x128xf32> to vector<512x8xf32>
    %add3A_35 = arith.addf %add3A_33, %slice3A_34 : vector<512x8xf32>
    %slice3A_36 = vector.extract_strided_slice %add3A_35 {offsets = [0, 0], sizes = [512, 4], strides = [1, 1]} : vector<512x8xf32> to vector<512x4xf32>
    %slice3A_37 = vector.extract_strided_slice %add3A_35 {offsets = [0, 4], sizes = [512, 4], strides = [1, 1]} : vector<512x8xf32> to vector<512x4xf32>
    %add3A_38 = arith.addf %slice3A_36, %slice3A_37 : vector<512x4xf32>
    %slice3A_39 = vector.extract_strided_slice %add3A_38 {offsets = [0, 0], sizes = [512, 2], strides = [1, 1]} : vector<512x4xf32> to vector<512x2xf32>
    %slice3A_40 = vector.extract_strided_slice %add3A_38 {offsets = [0, 2], sizes = [512, 2], strides = [1, 1]} : vector<512x4xf32> to vector<512x2xf32>
    %add3A_41 = arith.addf %slice3A_39, %slice3A_40 : vector<512x2xf32>
    %slice3A_42 = vector.extract_strided_slice %add3A_41 {offsets = [0, 0], sizes = [512, 1], strides = [1, 1]} : vector<512x2xf32> to vector<512x1xf32>
    %slice3A_43 = vector.extract_strided_slice %add3A_41 {offsets = [0, 1], sizes = [512, 1], strides = [1, 1]} : vector<512x2xf32> to vector<512x1xf32>
    %add3A_44 = arith.addf %slice3A_42, %slice3A_43 : vector<512x1xf32>
    %mul3A_45 = arith.constant -2.000000e+00 : f32
    %mul3A_46 = vector.broadcast %mul3A_45 : f32 to vector<512x256xf32>
    %mul3A_47 = arith.mulf %mul3A_46, %get3A_3 : vector<512x256xf32>
    %broadcast_in_dim3A = arith.constant 0x7F800000 : f32
    %broadcast_in_dim3A_48 = vector.broadcast %broadcast_in_dim3A : f32 to vector<512x1xf32>
    %broadcast_in_dim3A_49 = arith.constant 0 : i32
    %broadcast_in_dim3A_50 = vector.broadcast %broadcast_in_dim3A_49 : i32 to vector<512x1xi32>
    %get3A_51 = arith.constant 0 : index
    %get3A_52 = arith.constant 0 : index
    %get3A_53 = vector.load %arg2[%get3A_51, %get3A_52] : memref<256x4096xf32, #tpu.memory_space<vmem>>, vector<256x512xf32>
    %dot_general3A = arith.constant dense<0.000000e+00> : vector<512x512xf32>
    %dot_general3A_54 = tpu.matmul %mul3A_47, %get3A_53, %dot_general3A {dimension_numbers = #tpu.dot_dimension_numbers<[1], [0], [0], [1], [0, 0, 1, 1], [], []>, transpose_lhs_hint = false} : vector<512x256xf32>, vector<256x512xf32>, vector<512x512xf32> -> vector<512x512xf32>
    %add3A_55 = vector.broadcast %add3A_44 : vector<512x1xf32> to vector<512x512xf32>
    %add3A_56 = arith.addf %add3A_55, %dot_general3A_54 : vector<512x512xf32>
    %get3A_57 = arith.constant 0 : index
    %get3A_58 = arith.constant 0 : index
    %get3A_59 = vector.load %arg4[%get3A_57, %get3A_58] : memref<1x4096xf32, #tpu.memory_space<vmem>>, vector<1x512xf32>
    %add3A_60 = vector.broadcast %get3A_59 : vector<1x512xf32> to vector<512x512xf32>
    %add3A_61 = arith.addf %add3A_56, %add3A_60 : vector<512x512xf32>
    %reduce_min3A = arith.constant dense<0x7F800000> : vector<512xf32>
    %reduce_min3A_62 = vector.multi_reduction <minimumf>, %add3A_61, %reduce_min3A [1] : vector<512x512xf32> to vector<512xf32>
    %broadcast_in_dim3A_63 = vector.shape_cast %reduce_min3A_62 : vector<512xf32> to vector<512x1xf32>
    %iota3A = tpu.iota {dimensions = array<i32: 1>} : vector<512x512xi32>
    %eq3A_64 = vector.broadcast %broadcast_in_dim3A_63 : vector<512x1xf32> to vector<512x512xf32>
    %eq3A_65 = arith.cmpf oeq, %add3A_61, %eq3A_64 : vector<512x512xf32>
    %jit3A = arith.constant 1073741824 : i32
    %broadcast_in_dim3A_66 = vector.broadcast %jit3A : i32 to vector<512x512xi32>
    %select_n3A = arith.select %eq3A_65, %iota3A, %broadcast_in_dim3A_66 : vector<512x512xi1>, vector<512x512xi32>
    %reduce_min3A_67 = arith.constant dense<2147483647> : vector<512xi32>
    %reduce_min3A_68 = vector.multi_reduction <minsi>, %select_n3A, %reduce_min3A_67 [1] : vector<512x512xi32> to vector<512xi32>
    %broadcast_in_dim3A_69 = vector.shape_cast %reduce_min3A_68 : vector<512xi32> to vector<512x1xi32>
    %add3A_70 = arith.constant 0 : i32
    %add3A_71 = vector.broadcast %add3A_70 : i32 to vector<512x1xi32>
    %add3A_72 = arith.addi %broadcast_in_dim3A_69, %add3A_71 : vector<512x1xi32>
    %lt3A = arith.cmpf olt, %broadcast_in_dim3A_63, %broadcast_in_dim3A_48 : vector<512x1xf32>
    %select_n3A_73 = arith.select %lt3A, %add3A_72, %broadcast_in_dim3A_50 : vector<512x1xi1>, vector<512x1xi32>
    %select_n3A_74 = arith.select %lt3A, %broadcast_in_dim3A_63, %broadcast_in_dim3A_48 : vector<512x1xi1>, vector<512x1xf32>
    %get3A_75 = arith.constant 0 : index
    %get3A_76 = arith.constant 512 : index
    %get3A_77 = vector.load %arg2[%get3A_75, %get3A_76] : memref<256x4096xf32, #tpu.memory_space<vmem>>, vector<256x512xf32>
    %dot_general3A_78 = arith.constant dense<0.000000e+00> : vector<512x512xf32>
    %dot_general3A_79 = tpu.matmul %mul3A_47, %get3A_77, %dot_general3A_78 {dimension_numbers = #tpu.dot_dimension_numbers<[1], [0], [0], [1], [0, 0, 1, 1], [], []>, transpose_lhs_hint = false} : vector<512x256xf32>, vector<256x512xf32>, vector<512x512xf32> -> vector<512x512xf32>
    %add3A_80 = vector.broadcast %add3A_44 : vector<512x1xf32> to vector<512x512xf32>
    %add3A_81 = arith.addf %add3A_80, %dot_general3A_79 : vector<512x512xf32>
    %get3A_82 = arith.constant 0 : index
    %get3A_83 = arith.constant 512 : index
    %get3A_84 = vector.load %arg4[%get3A_82, %get3A_83] : memref<1x4096xf32, #tpu.memory_space<vmem>>, vector<1x512xf32>
    %add3A_85 = vector.broadcast %get3A_84 : vector<1x512xf32> to vector<512x512xf32>
    %add3A_86 = arith.addf %add3A_81, %add3A_85 : vector<512x512xf32>
    %reduce_min3A_87 = arith.constant dense<0x7F800000> : vector<512xf32>
    %reduce_min3A_88 = vector.multi_reduction <minimumf>, %add3A_86, %reduce_min3A_87 [1] : vector<512x512xf32> to vector<512xf32>
    %broadcast_in_dim3A_89 = vector.shape_cast %reduce_min3A_88 : vector<512xf32> to vector<512x1xf32>
    %iota3A_90 = tpu.iota {dimensions = array<i32: 1>} : vector<512x512xi32>
    %eq3A_91 = vector.broadcast %broadcast_in_dim3A_89 : vector<512x1xf32> to vector<512x512xf32>
    %eq3A_92 = arith.cmpf oeq, %add3A_86, %eq3A_91 : vector<512x512xf32>
    %jit3A_93 = arith.constant 1073741824 : i32
    %broadcast_in_dim3A_94 = vector.broadcast %jit3A_93 : i32 to vector<512x512xi32>
    %select_n3A_95 = arith.select %eq3A_92, %iota3A_90, %broadcast_in_dim3A_94 : vector<512x512xi1>, vector<512x512xi32>
    %reduce_min3A_96 = arith.constant dense<2147483647> : vector<512xi32>
    %reduce_min3A_97 = vector.multi_reduction <minsi>, %select_n3A_95, %reduce_min3A_96 [1] : vector<512x512xi32> to vector<512xi32>
    %broadcast_in_dim3A_98 = vector.shape_cast %reduce_min3A_97 : vector<512xi32> to vector<512x1xi32>
    %add3A_99 = arith.constant 512 : i32
    %add3A_100 = vector.broadcast %add3A_99 : i32 to vector<512x1xi32>
    %add3A_101 = arith.addi %broadcast_in_dim3A_98, %add3A_100 : vector<512x1xi32>
    %lt3A_102 = arith.cmpf olt, %broadcast_in_dim3A_89, %select_n3A_74 : vector<512x1xf32>
    %select_n3A_103 = arith.select %lt3A_102, %add3A_101, %select_n3A_73 : vector<512x1xi1>, vector<512x1xi32>
    %select_n3A_104 = arith.select %lt3A_102, %broadcast_in_dim3A_89, %select_n3A_74 : vector<512x1xi1>, vector<512x1xf32>
    %get3A_105 = arith.constant 0 : index
    %get3A_106 = arith.constant 1024 : index
    %get3A_107 = vector.load %arg2[%get3A_105, %get3A_106] : memref<256x4096xf32, #tpu.memory_space<vmem>>, vector<256x512xf32>
    %dot_general3A_108 = arith.constant dense<0.000000e+00> : vector<512x512xf32>
    %dot_general3A_109 = tpu.matmul %mul3A_47, %get3A_107, %dot_general3A_108 {dimension_numbers = #tpu.dot_dimension_numbers<[1], [0], [0], [1], [0, 0, 1, 1], [], []>, transpose_lhs_hint = false} : vector<512x256xf32>, vector<256x512xf32>, vector<512x512xf32> -> vector<512x512xf32>
    %add3A_110 = vector.broadcast %add3A_44 : vector<512x1xf32> to vector<512x512xf32>
    %add3A_111 = arith.addf %add3A_110, %dot_general3A_109 : vector<512x512xf32>
    %get3A_112 = arith.constant 0 : index
    %get3A_113 = arith.constant 1024 : index
    %get3A_114 = vector.load %arg4[%get3A_112, %get3A_113] : memref<1x4096xf32, #tpu.memory_space<vmem>>, vector<1x512xf32>
    %add3A_115 = vector.broadcast %get3A_114 : vector<1x512xf32> to vector<512x512xf32>
    %add3A_116 = arith.addf %add3A_111, %add3A_115 : vector<512x512xf32>
    %reduce_min3A_117 = arith.constant dense<0x7F800000> : vector<512xf32>
    %reduce_min3A_118 = vector.multi_reduction <minimumf>, %add3A_116, %reduce_min3A_117 [1] : vector<512x512xf32> to vector<512xf32>
    %broadcast_in_dim3A_119 = vector.shape_cast %reduce_min3A_118 : vector<512xf32> to vector<512x1xf32>
    %iota3A_120 = tpu.iota {dimensions = array<i32: 1>} : vector<512x512xi32>
    %eq3A_121 = vector.broadcast %broadcast_in_dim3A_119 : vector<512x1xf32> to vector<512x512xf32>
    %eq3A_122 = arith.cmpf oeq, %add3A_116, %eq3A_121 : vector<512x512xf32>
    %jit3A_123 = arith.constant 1073741824 : i32
    %broadcast_in_dim3A_124 = vector.broadcast %jit3A_123 : i32 to vector<512x512xi32>
    %select_n3A_125 = arith.select %eq3A_122, %iota3A_120, %broadcast_in_dim3A_124 : vector<512x512xi1>, vector<512x512xi32>
    %reduce_min3A_126 = arith.constant dense<2147483647> : vector<512xi32>
    %reduce_min3A_127 = vector.multi_reduction <minsi>, %select_n3A_125, %reduce_min3A_126 [1] : vector<512x512xi32> to vector<512xi32>
    %broadcast_in_dim3A_128 = vector.shape_cast %reduce_min3A_127 : vector<512xi32> to vector<512x1xi32>
    %add3A_129 = arith.constant 1024 : i32
    %add3A_130 = vector.broadcast %add3A_129 : i32 to vector<512x1xi32>
    %add3A_131 = arith.addi %broadcast_in_dim3A_128, %add3A_130 : vector<512x1xi32>
    %lt3A_132 = arith.cmpf olt, %broadcast_in_dim3A_119, %select_n3A_104 : vector<512x1xf32>
    %select_n3A_133 = arith.select %lt3A_132, %add3A_131, %select_n3A_103 : vector<512x1xi1>, vector<512x1xi32>
    %select_n3A_134 = arith.select %lt3A_132, %broadcast_in_dim3A_119, %select_n3A_104 : vector<512x1xi1>, vector<512x1xf32>
    %get3A_135 = arith.constant 0 : index
    %get3A_136 = arith.constant 1536 : index
    %get3A_137 = vector.load %arg2[%get3A_135, %get3A_136] : memref<256x4096xf32, #tpu.memory_space<vmem>>, vector<256x512xf32>
    %dot_general3A_138 = arith.constant dense<0.000000e+00> : vector<512x512xf32>
    %dot_general3A_139 = tpu.matmul %mul3A_47, %get3A_137, %dot_general3A_138 {dimension_numbers = #tpu.dot_dimension_numbers<[1], [0], [0], [1], [0, 0, 1, 1], [], []>, transpose_lhs_hint = false} : vector<512x256xf32>, vector<256x512xf32>, vector<512x512xf32> -> vector<512x512xf32>
    %add3A_140 = vector.broadcast %add3A_44 : vector<512x1xf32> to vector<512x512xf32>
    %add3A_141 = arith.addf %add3A_140, %dot_general3A_139 : vector<512x512xf32>
    %get3A_142 = arith.constant 0 : index
    %get3A_143 = arith.constant 1536 : index
    %get3A_144 = vector.load %arg4[%get3A_142, %get3A_143] : memref<1x4096xf32, #tpu.memory_space<vmem>>, vector<1x512xf32>
    %add3A_145 = vector.broadcast %get3A_144 : vector<1x512xf32> to vector<512x512xf32>
    %add3A_146 = arith.addf %add3A_141, %add3A_145 : vector<512x512xf32>
    %reduce_min3A_147 = arith.constant dense<0x7F800000> : vector<512xf32>
    %reduce_min3A_148 = vector.multi_reduction <minimumf>, %add3A_146, %reduce_min3A_147 [1] : vector<512x512xf32> to vector<512xf32>
    %broadcast_in_dim3A_149 = vector.shape_cast %reduce_min3A_148 : vector<512xf32> to vector<512x1xf32>
    %iota3A_150 = tpu.iota {dimensions = array<i32: 1>} : vector<512x512xi32>
    %eq3A_151 = vector.broadcast %broadcast_in_dim3A_149 : vector<512x1xf32> to vector<512x512xf32>
    %eq3A_152 = arith.cmpf oeq, %add3A_146, %eq3A_151 : vector<512x512xf32>
    %jit3A_153 = arith.constant 1073741824 : i32
    %broadcast_in_dim3A_154 = vector.broadcast %jit3A_153 : i32 to vector<512x512xi32>
    %select_n3A_155 = arith.select %eq3A_152, %iota3A_150, %broadcast_in_dim3A_154 : vector<512x512xi1>, vector<512x512xi32>
    %reduce_min3A_156 = arith.constant dense<2147483647> : vector<512xi32>
    %reduce_min3A_157 = vector.multi_reduction <minsi>, %select_n3A_155, %reduce_min3A_156 [1] : vector<512x512xi32> to vector<512xi32>
    %broadcast_in_dim3A_158 = vector.shape_cast %reduce_min3A_157 : vector<512xi32> to vector<512x1xi32>
    %add3A_159 = arith.constant 1536 : i32
    %add3A_160 = vector.broadcast %add3A_159 : i32 to vector<512x1xi32>
    %add3A_161 = arith.addi %broadcast_in_dim3A_158, %add3A_160 : vector<512x1xi32>
    %lt3A_162 = arith.cmpf olt, %broadcast_in_dim3A_149, %select_n3A_134 : vector<512x1xf32>
    %select_n3A_163 = arith.select %lt3A_162, %add3A_161, %select_n3A_133 : vector<512x1xi1>, vector<512x1xi32>
    %select_n3A_164 = arith.select %lt3A_162, %broadcast_in_dim3A_149, %select_n3A_134 : vector<512x1xi1>, vector<512x1xf32>
    %broadcast_in_dim3A_165 = arith.constant 0x7F800000 : f32
    %broadcast_in_dim3A_166 = vector.broadcast %broadcast_in_dim3A_165 : f32 to vector<512x1xf32>
    %broadcast_in_dim3A_167 = arith.constant 0 : i32
    %broadcast_in_dim3A_168 = vector.broadcast %broadcast_in_dim3A_167 : i32 to vector<512x1xi32>
    %get3A_169 = arith.constant 0 : index
    %get3A_170 = arith.constant 2048 : index
    %get3A_171 = vector.load %arg2[%get3A_169, %get3A_170] : memref<256x4096xf32, #tpu.memory_space<vmem>>, vector<256x512xf32>
    %dot_general3A_172 = arith.constant dense<0.000000e+00> : vector<512x512xf32>
    %dot_general3A_173 = tpu.matmul %mul3A_47, %get3A_171, %dot_general3A_172 {dimension_numbers = #tpu.dot_dimension_numbers<[1], [0], [0], [1], [0, 0, 1, 1], [], []>, transpose_lhs_hint = false} : vector<512x256xf32>, vector<256x512xf32>, vector<512x512xf32> -> vector<512x512xf32>
    %add3A_174 = vector.broadcast %add3A_44 : vector<512x1xf32> to vector<512x512xf32>
    %add3A_175 = arith.addf %add3A_174, %dot_general3A_173 : vector<512x512xf32>
    %get3A_176 = arith.constant 0 : index
    %get3A_177 = arith.constant 2048 : index
    %get3A_178 = vector.load %arg4[%get3A_176, %get3A_177] : memref<1x4096xf32, #tpu.memory_space<vmem>>, vector<1x512xf32>
    %add3A_179 = vector.broadcast %get3A_178 : vector<1x512xf32> to vector<512x512xf32>
    %add3A_180 = arith.addf %add3A_175, %add3A_179 : vector<512x512xf32>
    %reduce_min3A_181 = arith.constant dense<0x7F800000> : vector<512xf32>
    %reduce_min3A_182 = vector.multi_reduction <minimumf>, %add3A_180, %reduce_min3A_181 [1] : vector<512x512xf32> to vector<512xf32>
    %broadcast_in_dim3A_183 = vector.shape_cast %reduce_min3A_182 : vector<512xf32> to vector<512x1xf32>
    %iota3A_184 = tpu.iota {dimensions = array<i32: 1>} : vector<512x512xi32>
    %eq3A_185 = vector.broadcast %broadcast_in_dim3A_183 : vector<512x1xf32> to vector<512x512xf32>
    %eq3A_186 = arith.cmpf oeq, %add3A_180, %eq3A_185 : vector<512x512xf32>
    %jit3A_187 = arith.constant 1073741824 : i32
    %broadcast_in_dim3A_188 = vector.broadcast %jit3A_187 : i32 to vector<512x512xi32>
    %select_n3A_189 = arith.select %eq3A_186, %iota3A_184, %broadcast_in_dim3A_188 : vector<512x512xi1>, vector<512x512xi32>
    %reduce_min3A_190 = arith.constant dense<2147483647> : vector<512xi32>
    %reduce_min3A_191 = vector.multi_reduction <minsi>, %select_n3A_189, %reduce_min3A_190 [1] : vector<512x512xi32> to vector<512xi32>
    %broadcast_in_dim3A_192 = vector.shape_cast %reduce_min3A_191 : vector<512xi32> to vector<512x1xi32>
    %add3A_193 = arith.constant 2048 : i32
    %add3A_194 = vector.broadcast %add3A_193 : i32 to vector<512x1xi32>
    %add3A_195 = arith.addi %broadcast_in_dim3A_192, %add3A_194 : vector<512x1xi32>
    %lt3A_196 = arith.cmpf olt, %broadcast_in_dim3A_183, %broadcast_in_dim3A_166 : vector<512x1xf32>
    %select_n3A_197 = arith.select %lt3A_196, %add3A_195, %broadcast_in_dim3A_168 : vector<512x1xi1>, vector<512x1xi32>
    %select_n3A_198 = arith.select %lt3A_196, %broadcast_in_dim3A_183, %broadcast_in_dim3A_166 : vector<512x1xi1>, vector<512x1xf32>
    %get3A_199 = arith.constant 0 : index
    %get3A_200 = arith.constant 2560 : index
    %get3A_201 = vector.load %arg2[%get3A_199, %get3A_200] : memref<256x4096xf32, #tpu.memory_space<vmem>>, vector<256x512xf32>
    %dot_general3A_202 = arith.constant dense<0.000000e+00> : vector<512x512xf32>
    %dot_general3A_203 = tpu.matmul %mul3A_47, %get3A_201, %dot_general3A_202 {dimension_numbers = #tpu.dot_dimension_numbers<[1], [0], [0], [1], [0, 0, 1, 1], [], []>, transpose_lhs_hint = false} : vector<512x256xf32>, vector<256x512xf32>, vector<512x512xf32> -> vector<512x512xf32>
    %add3A_204 = vector.broadcast %add3A_44 : vector<512x1xf32> to vector<512x512xf32>
    %add3A_205 = arith.addf %add3A_204, %dot_general3A_203 : vector<512x512xf32>
    %get3A_206 = arith.constant 0 : index
    %get3A_207 = arith.constant 2560 : index
    %get3A_208 = vector.load %arg4[%get3A_206, %get3A_207] : memref<1x4096xf32, #tpu.memory_space<vmem>>, vector<1x512xf32>
    %add3A_209 = vector.broadcast %get3A_208 : vector<1x512xf32> to vector<512x512xf32>
    %add3A_210 = arith.addf %add3A_205, %add3A_209 : vector<512x512xf32>
    %reduce_min3A_211 = arith.constant dense<0x7F800000> : vector<512xf32>
    %reduce_min3A_212 = vector.multi_reduction <minimumf>, %add3A_210, %reduce_min3A_211 [1] : vector<512x512xf32> to vector<512xf32>
    %broadcast_in_dim3A_213 = vector.shape_cast %reduce_min3A_212 : vector<512xf32> to vector<512x1xf32>
    %iota3A_214 = tpu.iota {dimensions = array<i32: 1>} : vector<512x512xi32>
    %eq3A_215 = vector.broadcast %broadcast_in_dim3A_213 : vector<512x1xf32> to vector<512x512xf32>
    %eq3A_216 = arith.cmpf oeq, %add3A_210, %eq3A_215 : vector<512x512xf32>
    %jit3A_217 = arith.constant 1073741824 : i32
    %broadcast_in_dim3A_218 = vector.broadcast %jit3A_217 : i32 to vector<512x512xi32>
    %select_n3A_219 = arith.select %eq3A_216, %iota3A_214, %broadcast_in_dim3A_218 : vector<512x512xi1>, vector<512x512xi32>
    %reduce_min3A_220 = arith.constant dense<2147483647> : vector<512xi32>
    %reduce_min3A_221 = vector.multi_reduction <minsi>, %select_n3A_219, %reduce_min3A_220 [1] : vector<512x512xi32> to vector<512xi32>
    %broadcast_in_dim3A_222 = vector.shape_cast %reduce_min3A_221 : vector<512xi32> to vector<512x1xi32>
    %add3A_223 = arith.constant 2560 : i32
    %add3A_224 = vector.broadcast %add3A_223 : i32 to vector<512x1xi32>
    %add3A_225 = arith.addi %broadcast_in_dim3A_222, %add3A_224 : vector<512x1xi32>
    %lt3A_226 = arith.cmpf olt, %broadcast_in_dim3A_213, %select_n3A_198 : vector<512x1xf32>
    %select_n3A_227 = arith.select %lt3A_226, %add3A_225, %select_n3A_197 : vector<512x1xi1>, vector<512x1xi32>
    %select_n3A_228 = arith.select %lt3A_226, %broadcast_in_dim3A_213, %select_n3A_198 : vector<512x1xi1>, vector<512x1xf32>
    %get3A_229 = arith.constant 0 : index
    %get3A_230 = arith.constant 3072 : index
    %get3A_231 = vector.load %arg2[%get3A_229, %get3A_230] : memref<256x4096xf32, #tpu.memory_space<vmem>>, vector<256x512xf32>
    %dot_general3A_232 = arith.constant dense<0.000000e+00> : vector<512x512xf32>
    %dot_general3A_233 = tpu.matmul %mul3A_47, %get3A_231, %dot_general3A_232 {dimension_numbers = #tpu.dot_dimension_numbers<[1], [0], [0], [1], [0, 0, 1, 1], [], []>, transpose_lhs_hint = false} : vector<512x256xf32>, vector<256x512xf32>, vector<512x512xf32> -> vector<512x512xf32>
    %add3A_234 = vector.broadcast %add3A_44 : vector<512x1xf32> to vector<512x512xf32>
    %add3A_235 = arith.addf %add3A_234, %dot_general3A_233 : vector<512x512xf32>
    %get3A_236 = arith.constant 0 : index
    %get3A_237 = arith.constant 3072 : index
    %get3A_238 = vector.load %arg4[%get3A_236, %get3A_237] : memref<1x4096xf32, #tpu.memory_space<vmem>>, vector<1x512xf32>
    %add3A_239 = vector.broadcast %get3A_238 : vector<1x512xf32> to vector<512x512xf32>
    %add3A_240 = arith.addf %add3A_235, %add3A_239 : vector<512x512xf32>
    %reduce_min3A_241 = arith.constant dense<0x7F800000> : vector<512xf32>
    %reduce_min3A_242 = vector.multi_reduction <minimumf>, %add3A_240, %reduce_min3A_241 [1] : vector<512x512xf32> to vector<512xf32>
    %broadcast_in_dim3A_243 = vector.shape_cast %reduce_min3A_242 : vector<512xf32> to vector<512x1xf32>
    %iota3A_244 = tpu.iota {dimensions = array<i32: 1>} : vector<512x512xi32>
    %eq3A_245 = vector.broadcast %broadcast_in_dim3A_243 : vector<512x1xf32> to vector<512x512xf32>
    %eq3A_246 = arith.cmpf oeq, %add3A_240, %eq3A_245 : vector<512x512xf32>
    %jit3A_247 = arith.constant 1073741824 : i32
    %broadcast_in_dim3A_248 = vector.broadcast %jit3A_247 : i32 to vector<512x512xi32>
    %select_n3A_249 = arith.select %eq3A_246, %iota3A_244, %broadcast_in_dim3A_248 : vector<512x512xi1>, vector<512x512xi32>
    %reduce_min3A_250 = arith.constant dense<2147483647> : vector<512xi32>
    %reduce_min3A_251 = vector.multi_reduction <minsi>, %select_n3A_249, %reduce_min3A_250 [1] : vector<512x512xi32> to vector<512xi32>
    %broadcast_in_dim3A_252 = vector.shape_cast %reduce_min3A_251 : vector<512xi32> to vector<512x1xi32>
    %add3A_253 = arith.constant 3072 : i32
    %add3A_254 = vector.broadcast %add3A_253 : i32 to vector<512x1xi32>
    %add3A_255 = arith.addi %broadcast_in_dim3A_252, %add3A_254 : vector<512x1xi32>
    %lt3A_256 = arith.cmpf olt, %broadcast_in_dim3A_243, %select_n3A_228 : vector<512x1xf32>
    %select_n3A_257 = arith.select %lt3A_256, %add3A_255, %select_n3A_227 : vector<512x1xi1>, vector<512x1xi32>
    %select_n3A_258 = arith.select %lt3A_256, %broadcast_in_dim3A_243, %select_n3A_228 : vector<512x1xi1>, vector<512x1xf32>
    %get3A_259 = arith.constant 0 : index
    %get3A_260 = arith.constant 3584 : index
    %get3A_261 = vector.load %arg2[%get3A_259, %get3A_260] : memref<256x4096xf32, #tpu.memory_space<vmem>>, vector<256x512xf32>
    %dot_general3A_262 = arith.constant dense<0.000000e+00> : vector<512x512xf32>
    %dot_general3A_263 = tpu.matmul %mul3A_47, %get3A_261, %dot_general3A_262 {dimension_numbers = #tpu.dot_dimension_numbers<[1], [0], [0], [1], [0, 0, 1, 1], [], []>, transpose_lhs_hint = false} : vector<512x256xf32>, vector<256x512xf32>, vector<512x512xf32> -> vector<512x512xf32>
    %add3A_264 = vector.broadcast %add3A_44 : vector<512x1xf32> to vector<512x512xf32>
    %add3A_265 = arith.addf %add3A_264, %dot_general3A_263 : vector<512x512xf32>
    %get3A_266 = arith.constant 0 : index
    %get3A_267 = arith.constant 3584 : index
    %get3A_268 = vector.load %arg4[%get3A_266, %get3A_267] : memref<1x4096xf32, #tpu.memory_space<vmem>>, vector<1x512xf32>
    %add3A_269 = vector.broadcast %get3A_268 : vector<1x512xf32> to vector<512x512xf32>
    %add3A_270 = arith.addf %add3A_265, %add3A_269 : vector<512x512xf32>
    %reduce_min3A_271 = arith.constant dense<0x7F800000> : vector<512xf32>
    %reduce_min3A_272 = vector.multi_reduction <minimumf>, %add3A_270, %reduce_min3A_271 [1] : vector<512x512xf32> to vector<512xf32>
    %broadcast_in_dim3A_273 = vector.shape_cast %reduce_min3A_272 : vector<512xf32> to vector<512x1xf32>
    %iota3A_274 = tpu.iota {dimensions = array<i32: 1>} : vector<512x512xi32>
    %eq3A_275 = vector.broadcast %broadcast_in_dim3A_273 : vector<512x1xf32> to vector<512x512xf32>
    %eq3A_276 = arith.cmpf oeq, %add3A_270, %eq3A_275 : vector<512x512xf32>
    %jit3A_277 = arith.constant 1073741824 : i32
    %broadcast_in_dim3A_278 = vector.broadcast %jit3A_277 : i32 to vector<512x512xi32>
    %select_n3A_279 = arith.select %eq3A_276, %iota3A_274, %broadcast_in_dim3A_278 : vector<512x512xi1>, vector<512x512xi32>
    %reduce_min3A_280 = arith.constant dense<2147483647> : vector<512xi32>
    %reduce_min3A_281 = vector.multi_reduction <minsi>, %select_n3A_279, %reduce_min3A_280 [1] : vector<512x512xi32> to vector<512xi32>
    %broadcast_in_dim3A_282 = vector.shape_cast %reduce_min3A_281 : vector<512xi32> to vector<512x1xi32>
    %add3A_283 = arith.constant 3584 : i32
    %add3A_284 = vector.broadcast %add3A_283 : i32 to vector<512x1xi32>
    %add3A_285 = arith.addi %broadcast_in_dim3A_282, %add3A_284 : vector<512x1xi32>
    %lt3A_286 = arith.cmpf olt, %broadcast_in_dim3A_273, %select_n3A_258 : vector<512x1xf32>
    %select_n3A_287 = arith.select %lt3A_286, %add3A_285, %select_n3A_257 : vector<512x1xi1>, vector<512x1xi32>
    %select_n3A_288 = arith.select %lt3A_286, %broadcast_in_dim3A_273, %select_n3A_258 : vector<512x1xi1>, vector<512x1xf32>
    %bitcast_convert_type3A = tpu.bitcast %select_n3A_164 : vector<512x1xf32> -> vector<512x1xi32>
    %and3A = arith.constant 65535 : i32
    %and3A_289 = vector.broadcast %and3A : i32 to vector<512x1xi32>
    %and3A_290 = arith.andi %bitcast_convert_type3A, %and3A_289 : vector<512x1xi32>
    %gt3A = arith.constant 32768 : i32
    %gt3A_291 = vector.broadcast %gt3A : i32 to vector<512x1xi32>
    %gt3A_292 = arith.cmpi sgt, %and3A_290, %gt3A_291 : vector<512x1xi32>
    %eq3A_293 = arith.constant 32768 : i32
    %eq3A_294 = vector.broadcast %eq3A_293 : i32 to vector<512x1xi32>
    %eq3A_295 = arith.cmpi eq, %and3A_290, %eq3A_294 : vector<512x1xi32>
    %shift_right_arithmetic3A = arith.constant 16 : i32
    %shift_right_arithmetic3A_296 = vector.broadcast %shift_right_arithmetic3A : i32 to vector<512x1xi32>
    %shift_right_arithmetic3A_297 = arith.shrsi %bitcast_convert_type3A, %shift_right_arithmetic3A_296 : vector<512x1xi32>
    %and3A_298 = arith.constant 1 : i32
    %and3A_299 = vector.broadcast %and3A_298 : i32 to vector<512x1xi32>
    %and3A_300 = arith.andi %shift_right_arithmetic3A_297, %and3A_299 : vector<512x1xi32>
    %eq3A_301 = arith.constant 0 : i32
    %eq3A_302 = vector.broadcast %eq3A_301 : i32 to vector<512x1xi32>
    %eq3A_303 = arith.cmpi eq, %and3A_300, %eq3A_302 : vector<512x1xi32>
    %and3A_304 = arith.andi %eq3A_295, %eq3A_303 : vector<512x1xi1>
    %or3A = arith.ori %gt3A_292, %and3A_304 : vector<512x1xi1>
    %and3A_305 = arith.constant -65536 : i32
    %and3A_306 = vector.broadcast %and3A_305 : i32 to vector<512x1xi32>
    %and3A_307 = arith.andi %bitcast_convert_type3A, %and3A_306 : vector<512x1xi32>
    %jit3A_308 = arith.constant 65536 : i32
    %jit3A_309 = arith.constant 0 : i32
    %broadcast_in_dim3A_310 = vector.broadcast %jit3A_308 : i32 to vector<512x1xi32>
    %broadcast_in_dim3A_311 = vector.broadcast %jit3A_309 : i32 to vector<512x1xi32>
    %select_n3A_312 = arith.select %or3A, %broadcast_in_dim3A_310, %broadcast_in_dim3A_311 : vector<512x1xi1>, vector<512x1xi32>
    %add3A_313 = arith.addi %and3A_307, %select_n3A_312 : vector<512x1xi32>
    %bitcast_convert_type3A_314 = tpu.bitcast %add3A_313 : vector<512x1xi32> -> vector<512x1xf32>
    %lt3A_315 = arith.cmpf olt, %select_n3A_288, %bitcast_convert_type3A_314 : vector<512x1xf32>
    %select_n3A_316 = arith.select %lt3A_315, %select_n3A_287, %select_n3A_163 : vector<512x1xi1>, vector<512x1xi32>
    %squeeze3A = vector.shape_cast %select_n3A_316 : vector<512x1xi32> to vector<512xi32>
    %swap3A = arith.constant 0 : index
    %swap3A_317 = arith.constant 0 : index
    %swap3A_318 = arith.constant 0 : index
    %swap3A_319 = vector.load %arg3[%swap3A, %swap3A_317, %swap3A_318] : memref<1x1x512xi32, #tpu.memory_space<vmem>>, vector<1x1x512xi32>
    %swap3A_320 = vector.shape_cast %swap3A_319 : vector<1x1x512xi32> to vector<512xi32>
    %swap3A_321 = vector.shape_cast %squeeze3A : vector<512xi32> to vector<1x1x512xi32>
    tpu.vector_store %arg3[%swap3A, %swap3A_317, %swap3A_318], %swap3A_321 {strides = array<i32>} : memref<1x1x512xi32, #tpu.memory_space<vmem>>, vector<1x1x512xi32>,
    return
  }
  func.func @transform_0(%arg0: i32) -> (i32, i32) {
    %c0_i32 = arith.constant 0 : i32
    %c0_i32_0 = arith.constant 0 : i32
    return %arg0, %c0_i32 : i32, i32
  }
  func.func @transform_1(%arg0: i32) -> (i32, i32) {
    %c0_i32 = arith.constant 0 : i32
    %c0_i32_0 = arith.constant 0 : i32
    %c0_i32_1 = arith.constant 0 : i32
    return %c0_i32, %c0_i32_0 : i32, i32
  }
  func.func @transform_2(%arg0: i32) -> (i32, i32, i32) {
    %c0_i32 = arith.constant 0 : i32
    %c0_i32_0 = arith.constant 0 : i32
    %c0_i32_1 = arith.constant 0 : i32
    return %arg0, %c0_i32, %c0_i32_0 : i32, i32, i32
  }
}

</mosaic_0001>

<sc_bundles>
// kernel: kernel.4.cloned.1.call-start
scs
__scs_entry_jumppad:
0x0: {  	(pc) =	sbr.rel $0x88, $3  }
0x1: {  	(tag) =	ssettag $0x0;
	lr =	simm.s32 $0x1  }
0x2: {  	[smem:$0x3F9F] =	sst lr;
	_ =	strace $0xD0000000  }
0x3: {  	_ = 	snop  }
0x4: {  	_ = 	snop  }
0x5: {  	_ = 	snop  }
0x6: {  	_ = 	snop  }
0x7: {  	_ = 	snop  }
__scs_overlays_trampoline_lowered:
0x8: {  	[smem:$0x3FAE] =	sst s0  }
0x9: {  	[smem:$0x3FAF] =	sst s1  }
0xa: {  	[smem:$0x3FB0] =	sst s2  }
0xb: {  	[smem:$0x3FB1] =	sst s3  }
0xc: {  	[smem:$0x3FB2] =	sst s4  }
0xd: {  	[smem:$0x3FB3] =	sst s5  }
0xe: {  	[smem:$0x3FB4] =	sst s6  }
0xf: {  	[smem:$0x3FB5] =	sst s7  }
0x10: {  	[smem:$0x3FB6] =	sst s8  }
0x11: {  	[smem:$0x3FB7] =	sst s9;
	s0 =	simm.s32 @!p0 $0x0  }
0x12: {  	s1 =	sld [smem:$0x3F9D];
	s0 =	simm.s32 @p0 $0x1  }
0x13: {  	[smem:$0x3FB8] =	sst s0;
	s0 =	simm.s32 @!p1 $0x0  }
0x14: {  	s2 =	sld [smem:$0x3F9C];
	s0 =	simm.s32 @p1 $0x1  }
0x15: {  	[smem:$0x3FB9] =	sst s0;
	s0 =	simm.s32 @!p2 $0x0  }
0x16: {  	s3 =	sld [smem:$0x3FDB];
	s0 =	simm.s32 @p2 $0x1  }
0x17: {  	s4 =	simm.s32 $0x1BF5;
	[smem:$0x3FBB] =	sst s0  }
0x18: {  	s0 =	sld [smem:$0x3F9E];
	_ =	swait.ge [sflag:s4], $0x0  }
0x19: {  	s7 =	sld [smem:$0x3F9F]  }
0x1a: {  	s8 =	sadd.s32 $0xFFFFE003, lr  }
0x1b: {  	s9 =	sadd.s32 $0xFFFFFEF7, lr;
	s5 =	simm.s32 $0xFFFFFFFF;
	p2 =	slt.u32 s8, $0xFFFFF086  }
0x1c: {  	p1 =	slt.u32 s9, $0xF7A;
	s5 =	simm.s32 @!p2 $0x0  }
0x1d: {  	s5 =	simm.s32 @p1 $0x1;
	p0 =	seq.s32 s7, s2  }
0x1e: {  	s7 =	smul.u32 @!p0 $0xF7A, s2;
	p2 =	seq.s32 @!p0 s5, $0x0  }
0x1f: {  	s9 =	smul.u32 $0xF7A, s1;
	s8 =	simm.s32 @!p0 $0x1BF5;
	p2 =	por !p2, p0  }
0x20: {  	[sflag:s8] =	ssyncset.s32 @!p0 $0xFFFFF086;
	s6 =	sadd.s32 @!p0 s3, s7;
	s7 =	simm.s32 @!p0 $0x108  }
0x21: {  	s3 =	sadd.s32 s3, s9;
	s6 =	sadd.s32 @!p0 $0x88, s6;
	s7 =	simm.s32 @p2 $0x1082  }
0x22: {  	[simem:s7], [sflag:s8] =	dma.local @!p0 [hbm:s6], $0xF7A  }
0x23: {  	s9 =	sor.u32 $0xD0000000, s2;
	s6 =	simm.s32 $0x108;
	_ =	swait.ge @!p0 [sflag:s8], $0x0  }
0x24: {  	s3 =	sadd.s32 $0x88, s3;
	s6 =	simm.s32 @!p1 $0x1082;
	[sflag:s4] =	ssyncset.s32 $0xFFFFF086  }
0x25: {  	[simem:s6], [sflag:s4] =	dma.local [hbm:s3], $0xF7A  }
0x26: {  	[smem:$0x3F9F] =	sst s1;
	(tag) =	ssettag s2;
	_ =	strace s9  }
0x27: {  	s1 =	sld [smem:$0x3FAF]  }
0x28: {  	s2 =	sld [smem:$0x3FB0]  }
0x29: {  	s4 =	sld [smem:$0x3FB2]  }
0x2a: {  	p0 =	seq.s32 s5, $0x0;
	s5 =	sld [smem:$0x3FB3]  }
0x2b: {  	s6 =	sld [smem:$0x3FB4]  }
0x2c: {  	s7 =	sld [smem:$0x3FB5]  }
0x2d: {  	s3 =	simm.s32 $0x108;
	s8 =	sld [smem:$0x3FB6]  }
0x2e: {  	s3 =	simm.s32 @!p0 $0x1082;
	s9 =	sld [smem:$0x3FB7]  }
0x2f: {  	lr =	sadd.s32 s0, s3;
	s0 =	sld [smem:$0x3FAE]  }
0x30: {  	s3 =	sld [smem:$0x3FB1]  }
0x31: {  	[smem:$0x3FBA] =	sst s10  }
0x32: {  	s10 =	sld [smem:$0x3FB8];
	_ =	sdelay $0x3  }
0x33: {  	p0 =	seq.s32 s10, $0x1;
	s10 =	sld [smem:$0x3FBA];
	_ =	sdelay $0x3  }
0x34: {  	[smem:$0x3FBA] =	sst s10  }
0x35: {  	s10 =	sld [smem:$0x3FB9];
	_ =	sdelay $0x3  }
0x36: {  	p1 =	seq.s32 s10, $0x1;
	s10 =	sld [smem:$0x3FBA];
	_ =	sdelay $0x3  }
0x37: {  	[smem:$0x3FBA] =	sst s10  }
0x38: {  	s10 =	sld [smem:$0x3FBB]  }
0x39: {  	_ = 	snop;
	(pc) =	sbr.ind lr, $3  }
0x3a: {  	_ = 	snop  }
0x3b: {  	_ = 	snop  }
0x3c: {  	p2 =	seq.s32 s10, $0x1;
	s10 =	sld [smem:$0x3FBA]  }
0x3d: {  	_ =	shalt  }
0x3e: {  	_ =	shalt  }
0x3f: {  	_ =	shalt  }
0x40: {  	_ =	shalt  }
0x41: {  	_ =	shalt  }
0x42: {  	_ =	shalt  }
0x43: {  	_ =	shalt  }
0x44: {  	_ =	shalt  }
0x45: {  	_ =	shalt  }
0x46: {  	_ =	shalt  }
0x47: {  	_ =	shalt  }
0x48: {  	_ =	shalt  }
0x49: {  	_ =	shalt  }
0x4a: {  	_ =	shalt  }
0x4b: {  	_ =	shalt  }
0x4c: {  	_ =	shalt  }
0x4d: {  	_ =	shalt  }
0x4e: {  	_ =	shalt  }
0x4f: {  	_ =	shalt  }
0x50: {  	_ =	shalt  }
0x51: {  	_ =	shalt  }
0x52: {  	_ =	shalt  }
0x53: {  	_ =	shalt  }
0x54: {  	_ =	shalt  }
0x55: {  	_ =	shalt  }
0x56: {  	_ =	shalt  }
0x57: {  	_ =	shalt  }
0x58: {  	_ =	shalt  }
0x59: {  	_ =	shalt  }
0x5a: {  	_ =	shalt  }
0x5b: {  	_ =	shalt  }
0x5c: {  	_ =	shalt  }
0x5d: {  	_ =	shalt  }
0x5e: {  	_ =	shalt  }
0x5f: {  	_ =	shalt  }
0x60: {  	_ =	shalt  }
0x61: {  	_ =	shalt  }
0x62: {  	_ =	shalt  }
0x63: {  	_ =	shalt  }
0x64: {  	_ =	shalt  }
0x65: {  	_ =	shalt  }
0x66: {  	_ =	shalt  }
0x67: {  	_ =	shalt  }
0x68: {  	_ =	shalt  }
0x69: {  	_ =	shalt  }
0x6a: {  	_ =	shalt  }
0x6b: {  	_ =	shalt  }
0x6c: {  	_ =	shalt  }
0x6d: {  	_ =	shalt  }
0x6e: {  	_ =	shalt  }
0x6f: {  	_ =	shalt  }
0x70: {  	_ =	shalt  }
0x71: {  	_ =	shalt  }
0x72: {  	_ =	shalt  }
0x73: {  	_ =	shalt  }
0x74: {  	_ =	shalt  }
0x75: {  	_ =	shalt  }
0x76: {  	_ =	shalt  }
0x77: {  	_ =	shalt  }
0x78: {  	_ =	shalt  }
0x79: {  	_ =	shalt  }
0x7a: {  	_ =	shalt  }
0x7b: {  	_ =	shalt  }
0x7c: {  	_ =	shalt  }
0x7d: {  	_ =	shalt  }
0x7e: {  	_ =	shalt  }
0x7f: {  	_ =	shalt  }
0x80: {  	_ =	shalt  }
0x81: {  	_ =	shalt  }
0x82: {  	_ =	shalt  }
0x83: {  	_ =	shalt  }
0x84: {  	_ =	shalt  }
0x85: {  	_ =	shalt  }
0x86: {  	_ =	shalt  }
0x87: {  	_ =	shalt  }
.Lfunc_end0:
.L_simem_size_0:
called_computation_lowered:
.L_overlay_start_0:
0x88: {  	s2 =	sld [smem:$0x3FD9]  }
0x89: {  	s3 =	sld [smem:$0x3FFE];
	_ =	sdelay $0x1  }
0x8a: {  	s1 =	srdreg.scid  }
0x8b: {  	s0 =	sand.u32 $0x1, s1  }
0x8c: {  	s14 =	sshll.u32 s0, $0xA;
	s2 =	sadd.s32 s3, s2  }
0x8d: {  	s2 =	sadd.s32 s2, s14  }
0x8e: {  	[smem:$0x3FC6] =	sst s2  }
0x8f: {  	_ = 	snop  }
0x90: {  	s2 =	sld [smem:$0x3FD0];
	_ =	sdelay $0x2  }
0x91: {  	s15 =	simm.s32 $0xA;
	s4 =	simm.s32 $0x10  }
0x92: {  	[smem:s4], [sflag:s15] =	dma.local [hbm:s2], $0x1  }
0x93: {  	_ =	swait.eq [sflag:s15], $0x1  }
0x94: {  	[sflag:s15] =	ssyncset.done $0x0  }
0x95: {  	[sflag:s15] =	ssyncadd.s32 $0xFFFFFFFF  }
0x96: {  	s16 =	sld [smem:$0x11];
	(tm) =	ssettm $0x1  }
0x97: {  	s17 =	sld [smem:$0x3FFB];
	_ =	sdelay $0x3  }
0x98: {  	_ =	strace s17  }
0x99: {  	s3 =	sld [smem:$0x3FFC];
	_ =	sdelay $0x3  }
0x9a: {  	_ =	strace s3  }
0x9b: {  	s3 =	sld [smem:$0x3FFD];
	_ =	sdelay $0x3  }
0x9c: {  	_ =	strace s3  }
0x9d: {  	_ =	strace $0x8FFFFFFF  }
0x9e: {  	s18 =	sld [smem:$0x3FDB];
	_ =	sdelay $0x1  }
0x9f: {  	s19 =	simm.s32 $_scs_section_size  }
0xa0: {  	s5 =	simm.s32 $_size__tile_overlayer_lowered;
	s6 =	simm.s32 $_tile_overlayer_lowered  }
0xa1: {  	s22 =	simm.s32 $0x1BFF;
	s21 =	sshll.u32 s6, $0x1;
	s3 =	sadd.s32 s19, s18  }
0xa2: {  	s7 =	simm.s32 $0x0;
	s20 =	sshll.u32 s5, $0x1;
	s5 =	sadd.s32 s21, s3  }
0xa3: {  	[timem:s7], [sflag:s22] =	dma.local [hbm:s5], s20  }
0xa4: {  	_ =	swait.ge [sflag:s22], s20  }
0xa5: {  	s4 =	ssub.s32 $0x0, s20;
	[sflag:s22] =	ssyncset.done $0x0  }
0xa6: {  	[sflag:s22] =	ssyncadd.s32 s4;
	_ =	sdelay $0x1  }
0xa7: {  	s23 =	simm.s32 $0x1B8B  }
0xa8: {  	_ =	swait.ge [sflag:s23], $0x1  }
0xa9: {  	[sflag:s23] =	ssyncset.done $0x0  }
0xaa: {  	s25 =	simm.s32 $0x1B8E;
	s24 =	sld [smem:$0x3FFE];
	[sflag:s23] =	ssyncadd.s32 $0xFFFFFFFF  }
0xab: {  	s26 =	simm.s32 $execute0_lowered;
	[smem:$0x3FD2] =	sst s25  }
0xac: {  	s5 =	sshll.u32 s26, $0x1;
	_ =	strace $0x80000046;
	[dreg:$0x1] =	wrdreg $0xFFFFFFFF  }
0xad: {  	s28 =	simm.s32 $_size_execute0_lowered;
	s3 =	sadd.s32 s3, s5;
	[dreg:$0x0] =	wrdreg $0x0  }
0xae: {  	s5 =	sshll.u32 s28, $0x1;
	[dreg:$0x2] =	wrdreg s3  }
0xaf: {  	[dreg:$0x3] =	wrdreg s5  }
0xb0: {  	[dreg:$0x4] =	wrdreg $0xC0  }
0xb1: {  	_ =	task [dreg:s7], $0x5FFFF  }
0xb2: {  	[dreg:$0x1] =	wrdreg $0xFFFFFFFF  }
0xb3: {  	[dreg:$0x0] =	wrdreg $0x60  }
0xb4: {  	[dreg:$0x2] =	wrdreg s24  }
0xb5: {  	[dreg:$0x3] =	wrdreg s16  }
0xb6: {  	[dreg:$0x4] =	wrdreg $0x9  }
0xb7: {  	_ =	task.clear_ibuf [dreg:s7], $0x5FFFF;
	_ =	strace $0x90000046  }
0xb8: {  	s29 =	simm.s32 $0x9;
	_ =	strace $0x80000048  }
0xb9: {  	_ =	swait.ge [sflag:s29], $0x1  }
0xba: {  	[sflag:s29] =	ssyncadd.s32 $0xFFFFFFFF  }
0xbb: {  	_ =	strace $0x90000048  }
0xbc: {  	_ =	sfence  }
0xbd: {  	s30 =	sld [smem:$0x0];
	_ =	sdelay $0x2  }
0xbe: {  	s31 =	sshll.u32 s1, $0xD;
	s1 =	sshrl.u32 s1, $0x2  }
0xbf: {  	s3 =	sand.u32 $0x4000, s31;
	s1 =	sadd.s32 s1, s30  }
0xc0: {  	s0 =	sor.u32 s3, s0;
	s1 =	sshll.u32 s1, $0x11  }
0xc1: {  	s0 =	sor.u32 s1, s0  }
0xc2: {  	s0 =	sadd.s32 $0x8F2B, s0  }
0xc3: {  	[sflag:s0] =	ssyncadd.remote.s32 $0x1  }
0xc4: {  	_ =	sfence.sel $0xFFFF  }
0xc5: {  	[dreg:$0x0] =	wrdreg $0xFFFFFFFF;
	(pc) =	sbr.abs _section_cstart, $3  }
0xc6: {  	[dreg:$0x1] =	wrdreg $0xFFFFFFFF  }
0xc7: {  	_ =	task.clear_ibuf [dreg:s7], $0x2FFFF;
	_ =	strace $0x9FFFFFFF  }
0xc8: {  	(tm) =	ssettm $0x7FFFFFFF  }
0xc9: {  	_ =	shalt  }
tec
execute0_lowered:
.L_overlay_start_1:
0x0: {  	(tag) =	ssettag $0x1  }
0x1: {  	s1 =	srdreg.scid  }
0x2: {  	s0 =	stileid.u32;
	s3 =	rddreg [dreg:$0x0]  }
0x3: {  	s5 =	rddreg [dreg:$0x1];
	s19 =	simm.s32 $0x900;
	s20 =	simm.s32 $0x1100  }
0x4: {  	s21 =	simm.s32 $0x1900;
	s23 =	simm.s32 $0x2100;
	s24 =	simm.s32 $0x2900  }
0x5: {  	s25 =	simm.s32 $0x3100;
	s26 =	simm.s32 $0x3900;
	s8 =	simm.s32 $0x4900  }
0x6: {  	s9 =	simm.s32 $0x5100;
	s10 =	simm.s32 $0x5900;
	s11 =	simm.s32 $0x6100  }
0x7: {  	s12 =	simm.s32 $0x6900;
	s13 =	simm.s32 $0x7100;
	s14 =	simm.s32 $0x7900  }
0x8: {  	s15 =	simm.s32 $0x8100;
	s16 =	simm.s32 $0x8900;
	s1 =	sand.u32 $0x1, s1  }
0x9: {  	s17 =	simm.s32 $0x9100;
	s2 =	sshll.u32 s0, $0x9;
	s4 =	sshll.u32 s1, $0x8  }
0xa: {  	s18 =	simm.s32 $0x9900;
	s4 =	sor.u32 s4, s2;
	s2 =	simm.s32 $0x0  }
0xb: {  	s28 =	simm.s32 $0xE100;
	s29 =	simm.s32 $0xE900;
	[smem:$0x7FF] =	sst s2  }
0xc: {  	s30 =	simm.s32 $0xF100;
	_ =	strace $0x80000047;
	[dreg:$0x5] =	wrdreg s19  }
0xd: {  	s31 =	simm.s32 $0xF900;
	s1 =	ssub.s32 $0x2, s1;
	[dreg:$0x6] =	wrdreg s20  }
0xe: {  	s22 =	sshrl.u32 s1, $0x1;
	s6 =	sshrl.u32 s4, $0x3;
	[dreg:$0x7] =	wrdreg s21  }
0xf: {  	s4 =	sshll.u32 s4, $0x5;
	s1 =	ssub.s32 s1, s22;
	[dreg:$0x8] =	wrdreg s23  }
0x10: {  	s22 =	simm.s32 $0xB900;
	s6 =	sadd.s32 s6, s3;
	[dreg:$0x9] =	wrdreg s24  }
0x11: {  	s4 =	sadd.s32 s5, s4;
	s3 =	sadd.s32 $0x800, s3;
	[dreg:$0xa] =	wrdreg s25  }
0x12: {  	s5 =	simm.s32 $0x2;
	[dreg:$0xb] =	wrdreg s26;
	s19 =	simm.s32 $0xA100  }
0x13: {  	s20 =	simm.s32 $0xA900;
	s21 =	simm.s32 $0xB100;
	s23 =	simm.s32 $0xC100  }
0x14: {  	v2 =	vlaneseq.u32;
	s24 =	simm.s32 $0xC900;
	s25 =	simm.s32 $0xD100;
	s26 =	simm.s32 $0xD900  }
0x15: {  	vm0 =	vmmov $0xffff;
	v1 =	vshrl.u32 v2, $0x3;
	s6 =	sadd.s32 $0x20800, s6;
	[dreg:$0x4] =	wrdreg s4;
	s4 =	smax.u32 s1, $0x1  }
0x16: {  	v0 =	vand.u32 $0x7, v2;
	v2 =	vor.u32 $0x8, v2;
	v1 =	vmul.u32 $0x8, v1;
	s1 =	simm.s32 $0x1;
	[dreg:$0x3] =	wrdreg s6;
	s6 =	simm.s32 $0x100  }
.LBB2_1:
0x17: {  	s0 =	rddreg [dreg:$0x3]  }
0x18: {  	[tilespmem:s2], [sflag:$0x2] =	stream.linear.gather [hbm4b:s0+s2], $0x100, $0x38;
	[tilespmem:$0x10100] =	vst v63  }
0x19: {  	_ =	swait.ge [sflag:s5], $0x100  }
0x1a: {  	[sflag:s5] =	ssyncset.done $0x0  }
0x1b: {  	[sflag:s5] =	ssyncadd.s32 $0xFFFFFF00  }
0x1c: {  	v3 =	vld [tilespmem:$0x0];
	_ =	sdelay $0x4  }
0x1d: {  	v4 =	vshll.u32 v3, $0x1  }
0x1e: {  	v3 =	vand.u32 $0x7, v3;
	v4 =	vand.u32 $0xFFFFFFF0, v4  }
0x1f: {  	v3 =	vor.u32 v3, v4  }
0x20: {  	v4 =	vperm.xlane v3, v0;
	_ =	sdelay $0x1  }
0x21: {  	v3 =	vperm.xlane v3, v2;
	v4 =	vadd.s32 v1, v4;
	_ =	sdelay $0x1  }
0x22: {  	v3 =	vadd.s32 v1, v3;
	_ =	sdelay $0x2  }
0x23: {  	[tilespmem:s6], [sflag:$0x1] =	stream.indirect_vreg.gather [hbm4b:s3+s2], $0x80, v4, vm0, $0xb8;
	[tilespmem:$0x10100] =	vst v63  }
0x24: {  	s7 =	rddreg [dreg:$0x5]  }
0x25: {  	[tilespmem:s7], [sflag:$0x1] =	stream.indirect_vreg.gather [hbm4b:s3+s2], $0x80, v3, vm0, $0xb8;
	[tilespmem:$0x10100] =	vst v63  }
0x26: {  	v3 =	vld [tilespmem:$0x10];
	_ =	sdelay $0x4  }
0x27: {  	v49 =	vshll.u32 v3, $0x1  }
0x28: {  	v3 =	vand.u32 $0x7, v3;
	v4 =	vand.u32 $0xFFFFFFF0, v49  }
0x29: {  	v3 =	vor.u32 v3, v4  }
0x2a: {  	v4 =	vperm.xlane v3, v0;
	_ =	sdelay $0x1  }
0x2b: {  	v3 =	vperm.xlane v3, v2;
	v4 =	vadd.s32 v1, v4;
	_ =	sdelay $0x1  }
0x2c: {  	v3 =	vadd.s32 v1, v3;
	_ =	sdelay $0x1  }
0x2d: {  	s0 =	rddreg [dreg:$0x6]  }
0x2e: {  	[tilespmem:s0], [sflag:$0x1] =	stream.indirect_vreg.gather [hbm4b:s3+s2], $0x80, v4, vm0, $0xb8;
	[tilespmem:$0x10100] =	vst v63  }
0x2f: {  	s7 =	rddreg [dreg:$0x7]  }
0x30: {  	[tilespmem:s7], [sflag:$0x1] =	stream.indirect_vreg.gather [hbm4b:s3+s2], $0x80, v3, vm0, $0xb8;
	[tilespmem:$0x10100] =	vst v63  }
0x31: {  	v3 =	vld [tilespmem:$0x20];
	_ =	sdelay $0x4  }
0x32: {  	v50 =	vshll.u32 v3, $0x1  }
0x33: {  	v3 =	vand.u32 $0x7, v3;
	v4 =	vand.u32 $0xFFFFFFF0, v50  }
0x34: {  	v3 =	vor.u32 v3, v4  }
0x35: {  	v4 =	vperm.xlane v3, v0;
	_ =	sdelay $0x1  }
0x36: {  	v3 =	vperm.xlane v3, v2;
	v4 =	vadd.s32 v1, v4;
	_ =	sdelay $0x1  }
0x37: {  	v3 =	vadd.s32 v1, v3;
	_ =	sdelay $0x1  }
0x38: {  	s0 =	rddreg [dreg:$0x8]  }
0x39: {  	[tilespmem:s0], [sflag:$0x1] =	stream.indirect_vreg.gather [hbm4b:s3+s2], $0x80, v4, vm0, $0xb8;
	[tilespmem:$0x10100] =	vst v63  }
0x3a: {  	s7 =	rddreg [dreg:$0x9]  }
0x3b: {  	[tilespmem:s7], [sflag:$0x1] =	stream.indirect_vreg.gather [hbm4b:s3+s2], $0x80, v3, vm0, $0xb8;
	[tilespmem:$0x10100] =	vst v63  }
0x3c: {  	v3 =	vld [tilespmem:$0x30];
	_ =	sdelay $0x4  }
0x3d: {  	v51 =	vshll.u32 v3, $0x1  }
0x3e: {  	v3 =	vand.u32 $0x7, v3;
	v4 =	vand.u32 $0xFFFFFFF0, v51  }
0x3f: {  	v3 =	vor.u32 v3, v4  }
0x40: {  	v4 =	vperm.xlane v3, v0;
	_ =	sdelay $0x1  }
0x41: {  	v3 =	vperm.xlane v3, v2;
	v4 =	vadd.s32 v1, v4;
	_ =	sdelay $0x1  }
0x42: {  	v3 =	vadd.s32 v1, v3;
	_ =	sdelay $0x1  }
0x43: {  	s0 =	rddreg [dreg:$0xa]  }
0x44: {  	[tilespmem:s0], [sflag:$0x1] =	stream.indirect_vreg.gather [hbm4b:s3+s2], $0x80, v4, vm0, $0xb8;
	[tilespmem:$0x10100] =	vst v63  }
0x45: {  	s7 =	rddreg [dreg:$0xb]  }
0x46: {  	[tilespmem:s7], [sflag:$0x1] =	stream.indirect_vreg.gather [hbm4b:s3+s2], $0x80, v3, vm0, $0xb8;
	[tilespmem:$0x10100] =	vst v63  }
0x47: {  	v3 =	vld [tilespmem:$0x40];
	_ =	sdelay $0x4  }
0x48: {  	v52 =	vshll.u32 v3, $0x1  }
0x49: {  	v3 =	vand.u32 $0x7, v3;
	v4 =	vand.u32 $0xFFFFFFF0, v52  }
0x4a: {  	v3 =	vor.u32 v3, v4  }
0x4b: {  	v4 =	vperm.xlane v3, v0;
	_ =	sdelay $0x1  }
0x4c: {  	v3 =	vperm.xlane v3, v2;
	v4 =	vadd.s32 v1, v4;
	_ =	sdelay $0x1  }
0x4d: {  	v3 =	vadd.s32 v1, v3;
	_ =	sdelay $0x1  }
0x4e: {  	s7 =	simm.s32 $0x4100  }
0x4f: {  	[tilespmem:s7], [sflag:$0x1] =	stream.indirect_vreg.gather [hbm4b:s3+s2], $0x80, v4, vm0, $0xb8;
	[tilespmem:$0x10100] =	vst v63  }
0x50: {  	_ = 	snop  }
0x51: {  	[tilespmem:s8], [sflag:$0x1] =	stream.indirect_vreg.gather [hbm4b:s3+s2], $0x80, v3, vm0, $0xb8;
	[tilespmem:$0x10100] =	vst v63  }
0x52: {  	v3 =	vld [tilespmem:$0x50];
	_ =	sdelay $0x4  }
0x53: {  	v53 =	vshll.u32 v3, $0x1  }
0x54: {  	v3 =	vand.u32 $0x7, v3;
	v4 =	vand.u32 $0xFFFFFFF0, v53  }
0x55: {  	v3 =	vor.u32 v3, v4  }
0x56: {  	v4 =	vperm.xlane v3, v0;
	_ =	sdelay $0x1  }
0x57: {  	v3 =	vperm.xlane v3, v2;
	v4 =	vadd.s32 v1, v4;
	_ =	sdelay $0x1  }
0x58: {  	v3 =	vadd.s32 v1, v3;
	_ =	sdelay $0x2  }
0x59: {  	[tilespmem:s9], [sflag:$0x1] =	stream.indirect_vreg.gather [hbm4b:s3+s2], $0x80, v4, vm0, $0xb8;
	[tilespmem:$0x10100] =	vst v63  }
0x5a: {  	_ = 	snop  }
0x5b: {  	[tilespmem:s10], [sflag:$0x1] =	stream.indirect_vreg.gather [hbm4b:s3+s2], $0x80, v3, vm0, $0xb8;
	[tilespmem:$0x10100] =	vst v63  }
0x5c: {  	v3 =	vld [tilespmem:$0x60];
	_ =	sdelay $0x4  }
0x5d: {  	v54 =	vshll.u32 v3, $0x1  }
0x5e: {  	v3 =	vand.u32 $0x7, v3;
	v4 =	vand.u32 $0xFFFFFFF0, v54  }
0x5f: {  	v3 =	vor.u32 v3, v4  }
0x60: {  	v4 =	vperm.xlane v3, v0;
	_ =	sdelay $0x1  }
0x61: {  	v3 =	vperm.xlane v3, v2;
	v4 =	vadd.s32 v1, v4;
	_ =	sdelay $0x1  }
0x62: {  	v3 =	vadd.s32 v1, v3;
	_ =	sdelay $0x2  }
0x63: {  	[tilespmem:s11], [sflag:$0x1] =	stream.indirect_vreg.gather [hbm4b:s3+s2], $0x80, v4, vm0, $0xb8;
	[tilespmem:$0x10100] =	vst v63  }
0x64: {  	_ = 	snop  }
0x65: {  	[tilespmem:s12], [sflag:$0x1] =	stream.indirect_vreg.gather [hbm4b:s3+s2], $0x80, v3, vm0, $0xb8;
	[tilespmem:$0x10100] =	vst v63  }
0x66: {  	v3 =	vld [tilespmem:$0x70];
	_ =	sdelay $0x4  }
0x67: {  	v55 =	vshll.u32 v3, $0x1  }
0x68: {  	v3 =	vand.u32 $0x7, v3;
	v4 =	vand.u32 $0xFFFFFFF0, v55  }
0x69: {  	v3 =	vor.u32 v3, v4  }
0x6a: {  	v4 =	vperm.xlane v3, v0;
	_ =	sdelay $0x1  }
0x6b: {  	v3 =	vperm.xlane v3, v2;
	v4 =	vadd.s32 v1, v4;
	_ =	sdelay $0x1  }
0x6c: {  	v3 =	vadd.s32 v1, v3;
	_ =	sdelay $0x2  }
0x6d: {  	[tilespmem:s13], [sflag:$0x1] =	stream.indirect_vreg.gather [hbm4b:s3+s2], $0x80, v4, vm0, $0xb8;
	[tilespmem:$0x10100] =	vst v63  }
0x6e: {  	_ = 	snop  }
0x6f: {  	[tilespmem:s14], [sflag:$0x1] =	stream.indirect_vreg.gather [hbm4b:s3+s2], $0x80, v3, vm0, $0xb8;
	[tilespmem:$0x10100] =	vst v63  }
0x70: {  	v3 =	vld [tilespmem:$0x80];
	_ =	sdelay $0x4  }
0x71: {  	v56 =	vshll.u32 v3, $0x1  }
0x72: {  	v3 =	vand.u32 $0x7, v3;
	v4 =	vand.u32 $0xFFFFFFF0, v56  }
0x73: {  	v3 =	vor.u32 v3, v4  }
0x74: {  	v4 =	vperm.xlane v3, v0;
	_ =	sdelay $0x1  }
0x75: {  	v3 =	vperm.xlane v3, v2;
	v4 =	vadd.s32 v1, v4;
	_ =	sdelay $0x1  }
0x76: {  	v3 =	vadd.s32 v1, v3;
	_ =	sdelay $0x2  }
0x77: {  	[tilespmem:s15], [sflag:$0x1] =	stream.indirect_vreg.gather [hbm4b:s3+s2], $0x80, v4, vm0, $0xb8;
	[tilespmem:$0x10100] =	vst v63  }
0x78: {  	_ = 	snop  }
0x79: {  	[tilespmem:s16], [sflag:$0x1] =	stream.indirect_vreg.gather [hbm4b:s3+s2], $0x80, v3, vm0, $0xb8;
	[tilespmem:$0x10100] =	vst v63  }
0x7a: {  	v3 =	vld [tilespmem:$0x90];
	_ =	sdelay $0x4  }
0x7b: {  	v57 =	vshll.u32 v3, $0x1  }
0x7c: {  	v3 =	vand.u32 $0x7, v3;
	v4 =	vand.u32 $0xFFFFFFF0, v57  }
0x7d: {  	v3 =	vor.u32 v3, v4  }
0x7e: {  	v4 =	vperm.xlane v3, v0;
	_ =	sdelay $0x1  }
0x7f: {  	v3 =	vperm.xlane v3, v2;
	v4 =	vadd.s32 v1, v4;
	_ =	sdelay $0x1  }
0x80: {  	v3 =	vadd.s32 v1, v3;
	_ =	sdelay $0x2  }
0x81: {  	[tilespmem:s17], [sflag:$0x1] =	stream.indirect_vreg.gather [hbm4b:s3+s2], $0x80, v4, vm0, $0xb8;
	[tilespmem:$0x10100] =	vst v63  }
0x82: {  	_ = 	snop  }
0x83: {  	[tilespmem:s18], [sflag:$0x1] =	stream.indirect_vreg.gather [hbm4b:s3+s2], $0x80, v3, vm0, $0xb8;
	[tilespmem:$0x10100] =	vst v63  }
0x84: {  	v3 =	vld [tilespmem:$0xA0];
	_ =	sdelay $0x4  }
0x85: {  	v58 =	vshll.u32 v3, $0x1  }
0x86: {  	v3 =	vand.u32 $0x7, v3;
	v4 =	vand.u32 $0xFFFFFFF0, v58  }
0x87: {  	v3 =	vor.u32 v3, v4  }
0x88: {  	v4 =	vperm.xlane v3, v0;
	_ =	sdelay $0x1  }
0x89: {  	v3 =	vperm.xlane v3, v2;
	v4 =	vadd.s32 v1, v4;
	_ =	sdelay $0x1  }
0x8a: {  	v3 =	vadd.s32 v1, v3;
	_ =	sdelay $0x2  }
0x8b: {  	[tilespmem:s19], [sflag:$0x1] =	stream.indirect_vreg.gather [hbm4b:s3+s2], $0x80, v4, vm0, $0xb8;
	[tilespmem:$0x10100] =	vst v63  }
0x8c: {  	_ = 	snop  }
0x8d: {  	[tilespmem:s20], [sflag:$0x1] =	stream.indirect_vreg.gather [hbm4b:s3+s2], $0x80, v3, vm0, $0xb8;
	[tilespmem:$0x10100] =	vst v63  }
0x8e: {  	v3 =	vld [tilespmem:$0xB0];
	_ =	sdelay $0x4  }
0x8f: {  	v59 =	vshll.u32 v3, $0x1  }
0x90: {  	v3 =	vand.u32 $0x7, v3;
	v4 =	vand.u32 $0xFFFFFFF0, v59  }
0x91: {  	v3 =	vor.u32 v3, v4  }
0x92: {  	v4 =	vperm.xlane v3, v0;
	_ =	sdelay $0x1  }
0x93: {  	v3 =	vperm.xlane v3, v2;
	v4 =	vadd.s32 v1, v4;
	_ =	sdelay $0x1  }
0x94: {  	v3 =	vadd.s32 v1, v3;
	_ =	sdelay $0x2  }
0x95: {  	[tilespmem:s21], [sflag:$0x1] =	stream.indirect_vreg.gather [hbm4b:s3+s2], $0x80, v4, vm0, $0xb8;
	[tilespmem:$0x10100] =	vst v63  }
0x96: {  	_ = 	snop  }
0x97: {  	[tilespmem:s22], [sflag:$0x1] =	stream.indirect_vreg.gather [hbm4b:s3+s2], $0x80, v3, vm0, $0xb8;
	[tilespmem:$0x10100] =	vst v63  }
0x98: {  	v3 =	vld [tilespmem:$0xC0];
	_ =	sdelay $0x4  }
0x99: {  	v60 =	vshll.u32 v3, $0x1  }
0x9a: {  	v3 =	vand.u32 $0x7, v3;
	v4 =	vand.u32 $0xFFFFFFF0, v60  }
0x9b: {  	v3 =	vor.u32 v3, v4  }
0x9c: {  	v4 =	vperm.xlane v3, v0;
	_ =	sdelay $0x1  }
0x9d: {  	v3 =	vperm.xlane v3, v2;
	v4 =	vadd.s32 v1, v4;
	_ =	sdelay $0x1  }
0x9e: {  	v3 =	vadd.s32 v1, v3;
	_ =	sdelay $0x2  }
0x9f: {  	[tilespmem:s23], [sflag:$0x1] =	stream.indirect_vreg.gather [hbm4b:s3+s2], $0x80, v4, vm0, $0xb8;
	[tilespmem:$0x10100] =	vst v63  }
0xa0: {  	_ = 	snop  }
0xa1: {  	[tilespmem:s24], [sflag:$0x1] =	stream.indirect_vreg.gather [hbm4b:s3+s2], $0x80, v3, vm0, $0xb8;
	[tilespmem:$0x10100] =	vst v63  }
0xa2: {  	v3 =	vld [tilespmem:$0xD0];
	_ =	sdelay $0x4  }
0xa3: {  	v61 =	vshll.u32 v3, $0x1  }
0xa4: {  	v3 =	vand.u32 $0x7, v3;
	v4 =	vand.u32 $0xFFFFFFF0, v61  }
0xa5: {  	v3 =	vor.u32 v3, v4  }
0xa6: {  	v4 =	vperm.xlane v3, v0;
	_ =	sdelay $0x1  }
0xa7: {  	v3 =	vperm.xlane v3, v2;
	v4 =	vadd.s32 v1, v4;
	_ =	sdelay $0x1  }
0xa8: {  	v3 =	vadd.s32 v1, v3;
	_ =	sdelay $0x2  }
0xa9: {  	[tilespmem:s25], [sflag:$0x1] =	stream.indirect_vreg.gather [hbm4b:s3+s2], $0x80, v4, vm0, $0xb8;
	[tilespmem:$0x10100] =	vst v63  }
0xaa: {  	_ = 	snop  }
0xab: {  	[tilespmem:s26], [sflag:$0x1] =	stream.indirect_vreg.gather [hbm4b:s3+s2], $0x80, v3, vm0, $0xb8;
	[tilespmem:$0x10100] =	vst v63  }
0xac: {  	v3 =	vld [tilespmem:$0xE0];
	_ =	sdelay $0x4  }
0xad: {  	v62 =	vshll.u32 v3, $0x1  }
0xae: {  	v3 =	vand.u32 $0x7, v3;
	v4 =	vand.u32 $0xFFFFFFF0, v62  }
0xaf: {  	v3 =	vor.u32 v3, v4  }
0xb0: {  	v4 =	vperm.xlane v3, v0;
	_ =	sdelay $0x1  }
0xb1: {  	v3 =	vperm.xlane v3, v2;
	v4 =	vadd.s32 v1, v4;
	_ =	sdelay $0x1  }
0xb2: {  	v3 =	vadd.s32 v1, v3;
	_ =	sdelay $0x2  }
0xb3: {  	[tilespmem:s28], [sflag:$0x1] =	stream.indirect_vreg.gather [hbm4b:s3+s2], $0x80, v4, vm0, $0xb8;
	[tilespmem:$0x10100] =	vst v63  }
0xb4: {  	_ = 	snop  }
0xb5: {  	[tilespmem:s29], [sflag:$0x1] =	stream.indirect_vreg.gather [hbm4b:s3+s2], $0x80, v3, vm0, $0xb8;
	[tilespmem:$0x10100] =	vst v63  }
0xb6: {  	v3 =	vld [tilespmem:$0xF0];
	_ =	sdelay $0x4  }
0xb7: {  	v63 =	vshll.u32 v3, $0x1  }
0xb8: {  	v3 =	vand.u32 $0x7, v3;
	v4 =	vand.u32 $0xFFFFFFF0, v63  }
0xb9: {  	v3 =	vor.u32 v3, v4  }
0xba: {  	v4 =	vperm.xlane v3, v0;
	_ =	sdelay $0x1  }
0xbb: {  	v3 =	vperm.xlane v3, v2;
	v4 =	vadd.s32 v1, v4;
	_ =	sdelay $0x1  }
0xbc: {  	v3 =	vadd.s32 v1, v3;
	_ =	sdelay $0x2  }
0xbd: {  	[tilespmem:s30], [sflag:$0x1] =	stream.indirect_vreg.gather [hbm4b:s3+s2], $0x80, v4, vm0, $0xb8;
	[tilespmem:$0x10100] =	vst v63  }
0xbe: {  	_ = 	snop  }
0xbf: {  	[tilespmem:s31], [sflag:$0x1] =	stream.indirect_vreg.gather [hbm4b:s3+s2], $0x80, v3, vm0, $0xb8;
	[tilespmem:$0x10100] =	vst v63  }
0xc0: {  	_ =	swait.ge [sflag:s1], $0x10000  }
0xc1: {  	p0 =	sne.s32 s4, $0x1;
	[sflag:s1] =	ssyncset.done $0x0  }
.Ltmp0:
0xc2: {  	s7 =	rddreg [dreg:$0x4];
	[sflag:s1] =	ssyncadd.s32 $0xFFFF0000;
	(pc) =	sbr.rel @p0 .LBB2_1-.Ltmp0, $4  }
0xc3: {  	[hbm4b:s7+s2] =	stream.linear.scatter [tilespmem:s6], [sflag:$0x2], $0x10000, $0x38;
	[tilespmem:$0x10100] =	vst v63  }
0xc4: {  	_ =	swait.ge [sflag:s5], $0x10000  }
0xc5: {  	[sflag:s5] =	ssyncset.done $0x0  }
0xc6: {  	s4 =	sadd.s32 $0xFFFFFFFF, s4;
	[sflag:s5] =	ssyncadd.s32 $0xFFFF0000  }
0xc7: {  	_ =	sfence.sel $0x180000  }
0xc8: {  	[bflag:$0x0] =	sbarrier.arrive $0xFFFF  }
0xc9: {  	_ =	strace $0x90000047  }
0xca: {  	s0 =	stileid.u32;
	[bflag:$0x2] =	sbarrier.arrive $0xFFFF  }
0xcb: {  	p0 =	sne.s32 s0, $0x0;
	s0 =	rddreg [dreg:$0x2]  }
0xcc: {  	s0 =	sadd.s32 @!p0 $0x100000, s0  }
0xcd: {  	[sflag:s0] =	ssyncadd.tile.s32 @!p0 $0x1;
	_ =	shalt  }
.Lfunc_end2:
_tile_overlayer_lowered:
.L_overlay_start_2:
0xce: {  	(tag) =	ssettag $0x2  }
0xcf: {  	s0 =	rddreg [dreg:$0x0];
	s2 =	stileid.u32  }
0xd0: {  	s1 =	rddreg [dreg:$0x1];
	p0 =	sne.s32 s2, $0x0  }
0xd1: {  	s3 =	rddreg [dreg:$0x2];
	[bflag:$0x3] =	sbarrier.arrive $0xFFFF;
	s2 =	simm.s32 @!p0 $0x1C02  }
0xd2: {  	[timem:s3], [sflag:s2] =	dma.local @!p0 [hbm:s0], s1  }
0xd3: {  	s0 =	simm.s32 @!p0 $0x2  }
0xd4: {  	_ =	swait.ge @!p0 [sflag:s0], s1  }
0xd5: {  	s1 =	ssub.s32 @!p0 $0x0, s1;
	[sflag:s0] =	ssyncset.done @!p0 $0x0  }
0xd6: {  	[sflag:s0] =	ssyncadd.s32 @!p0 s1  }
0xd7: {  	[bflag:$0x3] =	sbarrier.arrive $0xFFFF  }
0xd8: {  	_ =	shalt  }

</sc_bundles>
